<compile_context>
chip_gen: v7x
topology: tpu7x:2x2x1
jax: 0.10.2.dev20260603
libtpu: 0.0.44.dev20260713+nightly
codegen_flags: <defaults>
</compile_context>

<pallas_src>
import dataclasses
import functools

import jax
import jax.numpy as jnp
from jax import lax
from jax.experimental import pallas as pl
from jax.experimental.pallas import tpu as pltpu
from jax.experimental.pallas import tpu_sc as plsc

N = 320000
C = 128
S = 10000
S_PAD = 10240
EPS = 1e-5

NC = 2
NS = 16
NW = NC * NS
ROWS_W = N // NW
BLK = 80
NBLK = ROWS_W // BLK
SROWS = S_PAD // NS

BS = 4000
RB = 2048

_MESH = plsc.VectorSubcoreMesh(core_axis_name="c", subcore_axis_name="s")

_CP = pltpu.CompilerParams()
if "needs_layout_passes" in pltpu.CompilerParams.__dataclass_fields__:
  _CP = dataclasses.replace(_CP, needs_layout_passes=False)


def _sc_segsum(x, batch_i32, zrow, i80):

  @functools.partial(
      pl.kernel,
      out_type=(
          jax.ShapeDtypeStruct((NC * S_PAD, C), jnp.float32),
          jax.ShapeDtypeStruct((NC * 80, C), jnp.float32),
      ),
      mesh=_MESH,
      compiler_params=_CP,
      scratch_types=[
          pltpu.VMEM((BLK, C), jnp.float32),
          pltpu.VMEM((BLK, C), jnp.float32),
          pltpu.VMEM((BLK,), jnp.int32),
          pltpu.VMEM((BLK,), jnp.int32),
          pltpu.VMEM((80, C), jnp.float32),
          pltpu.VMEM((80,), jnp.int32),
          pltpu.VMEM_SHARED((S_PAD, C), jnp.float32),
          pltpu.VMEM_SHARED((80, C), jnp.float32),
          pltpu.SemaphoreType.DMA,
          pltpu.SemaphoreType.DMA,
          pltpu.SemaphoreType.DMA,
          pltpu.SemaphoreType.DMA,
          pltpu.SemaphoreType.DMA,
      ],
  )
  def k(x_hbm, b_hbm, zrow_hbm, i80_hbm, out_hbm, cnt_hbm,
        xb0, xb1, ib0, ib1, hist, i80buf, acc, shist,
        sx0, sx1, si0, si1, ssc):
    cid = lax.axis_index("c")
    sid = lax.axis_index("s")
    wid = cid * NS + sid

    pltpu.sync_copy(zrow_hbm, acc.at[pl.ds(sid * SROWS, SROWS)])
    pltpu.sync_copy(zrow_hbm.at[pl.ds(0, 80)], hist)
    pltpu.sync_copy(i80_hbm, i80buf)

    @pl.when(sid == 0)
    def _():
      pltpu.sync_copy(zrow_hbm.at[pl.ds(0, 80)], shist)

    plsc.subcore_barrier()

    base_w = wid * ROWS_W
    io = lax.iota(jnp.int32, 16)
    pidx = jnp.maximum(io - 1, 0)
    nidx = jnp.minimum(io + 1, 15)

    def take16(v, idx):
      return lax.gather(
          v,
          idx[:, None],
          lax.GatherDimensionNumbers(
              offset_dims=(),
              collapsed_slice_dims=(0,),
              start_index_map=(0,),
          ),
          (1,),
          mode=lax.GatherScatterMode.PROMISE_IN_BOUNDS,
      )

    def hist_update(ib):
      for kk in range(BLK // 16):
        v = ib[pl.ds(16 * kk, 16)]
        prev = take16(v, pidx)
        nxt = take16(v, nidx)
        start_m = (v != prev) | (io == 0)
        s = jnp.where(start_m, io, 0)
        fm = plsc.cummax(s)
        runlen = (io - fm + 1).astype(jnp.float32)
        endm = (v != nxt) | (io == 15)
        plsc.addupdate_scatter(
            hist,
            [jnp.right_shift(v, 7), jnp.bitwise_and(v, 127)],
            runlen,
            mask=endm,
        )

    def start(g, xb, ib, sx, si):
      base = base_w + g * BLK
      pltpu.make_async_copy(x_hbm.at[pl.ds(base, BLK)], xb, sx).start()
      pltpu.make_async_copy(b_hbm.at[pl.ds(base, BLK)], ib, si).start()

    def wait(xb, ib, sx, si):
      pltpu.make_async_copy(x_hbm.at[pl.ds(0, BLK)], xb, sx).wait()
      pltpu.make_async_copy(b_hbm.at[pl.ds(0, BLK)], ib, si).wait()

    def process(xb, ib, sx, si):
      wait(xb, ib, sx, si)
      sc = pltpu.make_async_copy(xb, acc.at[ib], ssc)
      sc.start(add=True)
      hist_update(ib)
      sc.wait()

    start(0, xb0, ib0, sx0, si0)
    start(1, xb1, ib1, sx1, si1)

    @pl.loop(0, (NBLK - 1) // 2)
    def _(h):
      g0 = 2 * h
      process(xb0, ib0, sx0, si0)
      start(g0 + 2, xb0, ib0, sx0, si0)

      process(xb1, ib1, sx1, si1)

      @pl.when(g0 + 3 < NBLK)
      def _():
        start(g0 + 3, xb1, ib1, sx1, si1)

    process(xb0, ib0, sx0, si0)

    plsc.subcore_barrier()
    pltpu.sync_copy(hist, shist.at[i80buf], add=True)
    plsc.subcore_barrier()

    out_base = cid * S_PAD + sid * SROWS
    pltpu.sync_copy(acc.at[pl.ds(sid * SROWS, SROWS)],
                    out_hbm.at[pl.ds(out_base, SROWS)])

    @pl.when(sid == 0)
    def _():
      pltpu.sync_copy(shist, cnt_hbm.at[pl.ds(cid * 80, 80)])

  return k(x, batch_i32, zrow, i80)


def _tc_stats(x):

  def body(x_ref, s_ref, q_ref):
    i = pl.program_id(0)

    @pl.when(i == 0)
    def _():
      s_ref[...] = jnp.zeros_like(s_ref)
      q_ref[...] = jnp.zeros_like(q_ref)

    xb = x_ref[...]
    s_ref[...] += jnp.sum(xb, axis=0, keepdims=True)
    q_ref[...] += jnp.sum(xb * xb, axis=0, keepdims=True)

  return pl.pallas_call(
      body,
      grid=(N // BS,),
      in_specs=[pl.BlockSpec((BS, C), lambda i: (i, 0))],
      out_specs=[
          pl.BlockSpec((1, C), lambda i: (0, 0)),
          pl.BlockSpec((1, C), lambda i: (0, 0)),
      ],
      out_shape=[jax.ShapeDtypeStruct((1, C), jnp.float32)] * 2,
  )(x)


def _finalize(parts, cnts, ssum, ssq, gamma, beta):

  def body(p_ref, c_ref, s_ref, q_ref, g_ref, b_ref, o_ref):
    mean = s_ref[...] / N
    var = q_ref[...] / N - mean * mean
    inv = lax.rsqrt(var + EPS)
    scale = g_ref[...] * inv
    shift = b_ref[...] - mean * scale
    seg = p_ref[0] + p_ref[1]
    cnt = c_ref[0, :, 0:1] + c_ref[1, :, 0:1]
    ok = cnt > 0.0
    cntc = jnp.where(ok, cnt, 1.0)
    o_ref[...] = jnp.where(ok, (seg / cntc) * scale + shift, 0.0)

  return pl.pallas_call(
      body,
      grid=(S_PAD // RB,),
      in_specs=[
          pl.BlockSpec((NC, RB, C), lambda i: (0, i, 0)),
          pl.BlockSpec((NC, RB, C), lambda i: (0, i, 0)),
          pl.BlockSpec((1, C), lambda i: (0, 0)),
          pl.BlockSpec((1, C), lambda i: (0, 0)),
          pl.BlockSpec((1, C), lambda i: (0, 0)),
          pl.BlockSpec((1, C), lambda i: (0, 0)),
      ],
      out_specs=pl.BlockSpec((RB, C), lambda i: (i, 0)),
      out_shape=jax.ShapeDtypeStruct((S_PAD, C), jnp.float32),
  )(parts, cnts, ssum, ssq, gamma, beta)


def kernel(x, batch, gamma, beta):
  batch_i32 = batch.astype(jnp.int32)
  zrow = jnp.zeros((SROWS, C), jnp.float32)
  i80 = jnp.arange(80, dtype=jnp.int32)
  parts, cnth = _sc_segsum(x, batch_i32, zrow, i80)
  cnts = jnp.broadcast_to(
      cnth.reshape(NC, S_PAD)[:, :, None], (NC, S_PAD, C))
  ssum, ssq = _tc_stats(x)
  out = _finalize(
      parts.reshape(NC, S_PAD, C),
      cnts,
      ssum,
      ssq,
      gamma.reshape(1, C),
      beta.reshape(1, C),
  )
  return out[:S]

# --- scband reference (transcript-rebuilt; emitter-appended) ---
"""Pipeline reference for scband-global-pool-layer-32272384262231 (READ-ONLY COPY).

The authoritative reference and input builder live on the scoring server;
editing this copy changes nothing except your own understanding.
"""

import jax, jax.numpy as jnp
import numpy as np

N = 320000
C = 128
NUM_SEGMENTS = 10000
EPS = 1e-5

def setup_inputs(seed: int = 0) -> dict:
    key = jax.random.key(seed)
    k1, k2 = jax.random.split(key)
    x = jax.random.normal(k1, (N, C), dtype=jnp.float32)
    batch = jnp.sort(jax.random.randint(k2, (N,), 0, NUM_SEGMENTS)).astype(jnp.int64)
    gamma = jnp.ones((C,), dtype=jnp.float32)
    beta = jnp.zeros((C,), dtype=jnp.float32)
    return {"x": x, "batch": batch, "gamma": gamma, "beta": beta}

def reference(x, batch, gamma, beta):
    # BatchNorm1d (training mode: biased batch statistics over dim 0)
    mean = jnp.mean(x, axis=0)
    var = jnp.mean((x - mean) ** 2, axis=0)
    x_hat = (x - mean) * jax.lax.rsqrt(var + EPS)
    x_bn = x_hat * gamma + beta
    # global_mean_pool: segment mean over batch ids
    sums = jax.ops.segment_sum(x_bn, batch, num_segments=NUM_SEGMENTS)
    counts = jnp.bincount(batch, length=NUM_SEGMENTS).astype(jnp.float32)
    counts = jnp.maximum(counts, 1.0)
    return sums / counts[:, None]

if __name__ == "__main__":
    import jax
    _d = setup_inputs()
    print(jax.jit(kernel)(*tuple(_d.values())))

</pallas_src>

<mosaic_0001>
#map = affine_map<(d0, d1) -> (0, 0)>
#map1 = affine_map<(d0, d1) -> (0)>
module attributes {stable_mosaic.version = 14 : i64} {
  func.func @k(%arg0: i32, %arg1: i32, %arg2: memref<320000x128xf32, #tpu.memory_space<hbm>>, %arg3: memref<320000xi32, #tpu.memory_space<hbm>>, %arg4: memref<640x128xf32, #tpu.memory_space<hbm>>, %arg5: memref<80xi32, #tpu.memory_space<hbm>>, %arg6: memref<20480x128xf32, #tpu.memory_space<hbm>>, %arg7: memref<160x128xf32, #tpu.memory_space<hbm>>, %arg8: memref<80x128xf32, #tpu.memory_space<vmem>>, %arg9: memref<80x128xf32, #tpu.memory_space<vmem>>, %arg10: memref<80xi32, #tpu.memory_space<vmem>>, %arg11: memref<80xi32, #tpu.memory_space<vmem>>, %arg12: memref<80x128xf32, #tpu.memory_space<vmem>>, %arg13: memref<80xi32, #tpu.memory_space<vmem>>, %arg14: memref<10240x128xf32, #tpu.memory_space<vmem_shared>>, %arg15: memref<80x128xf32, #tpu.memory_space<vmem_shared>>, %arg16: memref<!tpu.dma_semaphore, #tpu.memory_space<semaphore_mem>>, %arg17: memref<!tpu.dma_semaphore, #tpu.memory_space<semaphore_mem>>, %arg18: memref<!tpu.dma_semaphore, #tpu.memory_space<semaphore_mem>>, %arg19: memref<!tpu.dma_semaphore, #tpu.memory_space<semaphore_mem>>, %arg20: memref<!tpu.dma_semaphore, #tpu.memory_space<semaphore_mem>>) attributes {dimension_semantics = [#tpu.dimension_semantics<core_parallel>, #tpu.dimension_semantics<subcore_parallel>], iteration_bounds = array<i64: 2, 16>, scalar_prefetch = 0 : i64, scratch_operands = 13 : i64, tpu.core_type = #tpu.core_type<sc_vector_subcore>, window_params = [{transform_indices = #map}, {transform_indices = #map1}, {transform_indices = #map}, {transform_indices = #map1}, {transform_indices = #map}, {transform_indices = #map}]} {
    %mul3A = arith.constant 16 : i32
    %mul3A_0 = arith.muli %arg0, %mul3A : i32
    %add3A = arith.addi %mul3A_0, %arg1 : i32
    %mul3A_1 = arith.constant 640 : i32
    %mul3A_2 = arith.muli %arg1, %mul3A_1 : i32
    "tpu.region"() ({
      %run_scoped3A = tpu.sem_alloc : memref<!tpu.dma_semaphore, #tpu.memory_space<semaphore_mem>>
      %dma_start3A_249 = arith.constant 0 : i32
      %dma_start3A_250 = tpu.memref_slice %arg14[%mul3A_2, %dma_start3A_249] : memref<10240x128xf32, #tpu.memory_space<vmem_shared>> -> memref<640x128xf32, #tpu.memory_space<vmem_shared>>
      tpu.enqueue_dma source(%arg4 : memref<640x128xf32, #tpu.memory_space<hbm>>) target(%dma_start3A_250 : memref<640x128xf32, #tpu.memory_space<vmem_shared>>) target_semaphore(%run_scoped3A : memref<!tpu.dma_semaphore, #tpu.memory_space<semaphore_mem>>)
      %dma_wait3A_251 = arith.constant 0 : i32
      %dma_wait3A_252 = tpu.memref_slice %arg14[%mul3A_2, %dma_wait3A_251] : memref<10240x128xf32, #tpu.memory_space<vmem_shared>> -> memref<640x128xf32, #tpu.memory_space<vmem_shared>>
      tpu.wait_dma2 semaphore(%run_scoped3A : memref<!tpu.dma_semaphore, #tpu.memory_space<semaphore_mem>>) src(%arg4 : memref<640x128xf32, #tpu.memory_space<hbm>>) dst(%dma_wait3A_252 : memref<640x128xf32, #tpu.memory_space<vmem_shared>>)
      tpu.yield
    }) : () -> ()
    "tpu.region"() ({
      %run_scoped3A = tpu.sem_alloc : memref<!tpu.dma_semaphore, #tpu.memory_space<semaphore_mem>>
      %dma_start3A_249 = arith.constant 0 : i32
      %dma_start3A_250 = arith.constant 0 : i32
      %dma_start3A_251 = tpu.memref_slice %arg4[%dma_start3A_249, %dma_start3A_250] : memref<640x128xf32, #tpu.memory_space<hbm>> -> memref<80x128xf32, #tpu.memory_space<hbm>>
      %dma_start3A_252 = arith.constant 0 : i32
      %dma_start3A_253 = arith.constant 0 : i32
      %dma_start3A_254 = tpu.memref_slice %arg4[%dma_start3A_252, %dma_start3A_253] : memref<640x128xf32, #tpu.memory_space<hbm>> -> memref<80x128xf32, #tpu.memory_space<hbm>>
      tpu.enqueue_dma source(%dma_start3A_254 : memref<80x128xf32, #tpu.memory_space<hbm>>) target(%arg12 : memref<80x128xf32, #tpu.memory_space<vmem>>) target_semaphore(%run_scoped3A : memref<!tpu.dma_semaphore, #tpu.memory_space<semaphore_mem>>)
      %dma_wait3A_255 = arith.constant 0 : i32
      %dma_wait3A_256 = arith.constant 0 : i32
      %dma_wait3A_257 = tpu.memref_slice %arg4[%dma_wait3A_255, %dma_wait3A_256] : memref<640x128xf32, #tpu.memory_space<hbm>> -> memref<80x128xf32, #tpu.memory_space<hbm>>
      %dma_wait3A_258 = arith.constant 0 : i32
      %dma_wait3A_259 = arith.constant 0 : i32
      %dma_wait3A_260 = tpu.memref_slice %arg4[%dma_wait3A_258, %dma_wait3A_259] : memref<640x128xf32, #tpu.memory_space<hbm>> -> memref<80x128xf32, #tpu.memory_space<hbm>>
      tpu.wait_dma2 semaphore(%run_scoped3A : memref<!tpu.dma_semaphore, #tpu.memory_space<semaphore_mem>>) src(%dma_wait3A_260 : memref<80x128xf32, #tpu.memory_space<hbm>>) dst(%arg12 : memref<80x128xf32, #tpu.memory_space<vmem>>)
      tpu.yield
    }) : () -> ()
    "tpu.region"() ({
      %run_scoped3A = tpu.sem_alloc : memref<!tpu.dma_semaphore, #tpu.memory_space<semaphore_mem>>
      tpu.enqueue_dma source(%arg5 : memref<80xi32, #tpu.memory_space<hbm>>) target(%arg13 : memref<80xi32, #tpu.memory_space<vmem>>) target_semaphore(%run_scoped3A : memref<!tpu.dma_semaphore, #tpu.memory_space<semaphore_mem>>)
      tpu.wait_dma2 semaphore(%run_scoped3A : memref<!tpu.dma_semaphore, #tpu.memory_space<semaphore_mem>>) src(%arg5 : memref<80xi32, #tpu.memory_space<hbm>>) dst(%arg13 : memref<80xi32, #tpu.memory_space<vmem>>)
      tpu.yield
    }) : () -> ()
    %eq3A = arith.constant 0 : i32
    %eq3A_3 = arith.cmpi eq, %arg1, %eq3A : i32
    %convert_element_type3A = arith.extui %eq3A_3 : i1 to i32
    %cond3A = arith.constant 0 : i32
    %cond3A_4 = arith.cmpi ne, %convert_element_type3A, %cond3A : i32
    scf.if %cond3A_4 {
      "tpu.region"() ({
        %run_scoped3A = tpu.sem_alloc : memref<!tpu.dma_semaphore, #tpu.memory_space<semaphore_mem>>
        %dma_start3A_249 = arith.constant 0 : i32
        %dma_start3A_250 = arith.constant 0 : i32
        %dma_start3A_251 = tpu.memref_slice %arg4[%dma_start3A_249, %dma_start3A_250] : memref<640x128xf32, #tpu.memory_space<hbm>> -> memref<80x128xf32, #tpu.memory_space<hbm>>
        tpu.enqueue_dma source(%dma_start3A_251 : memref<80x128xf32, #tpu.memory_space<hbm>>) target(%arg15 : memref<80x128xf32, #tpu.memory_space<vmem_shared>>) target_semaphore(%run_scoped3A : memref<!tpu.dma_semaphore, #tpu.memory_space<semaphore_mem>>)
        %dma_wait3A_252 = arith.constant 0 : i32
        %dma_wait3A_253 = arith.constant 0 : i32
        %dma_wait3A_254 = tpu.memref_slice %arg4[%dma_wait3A_252, %dma_wait3A_253] : memref<640x128xf32, #tpu.memory_space<hbm>> -> memref<80x128xf32, #tpu.memory_space<hbm>>
        tpu.wait_dma2 semaphore(%run_scoped3A : memref<!tpu.dma_semaphore, #tpu.memory_space<semaphore_mem>>) src(%dma_wait3A_254 : memref<80x128xf32, #tpu.memory_space<hbm>>) dst(%arg15 : memref<80x128xf32, #tpu.memory_space<vmem_shared>>)
        tpu.yield
      }) : () -> ()
    } else {
    }
    %barrier3A = arith.constant 0 : index
    tpu.barrier barrier_id(%barrier3A)
    %mul3A_5 = arith.constant 10000 : i32
    %mul3A_6 = arith.muli %add3A, %mul3A_5 : i32
    %iota3A = tpu.iota {dimensions = array<i32: 0>} : vector<16xi32>
    %sub3A = arith.constant 1 : i32
    %sub3A_7 = vector.broadcast %sub3A : i32 to vector<16xi32>
    %sub3A_8 = arith.subi %iota3A, %sub3A_7 : vector<16xi32>
    %max3A = arith.constant 0 : i32
    %max3A_9 = vector.broadcast %max3A : i32 to vector<16xi32>
    %max3A_10 = arith.maxsi %sub3A_8, %max3A_9 : vector<16xi32>
    %add3A_11 = arith.constant 1 : i32
    %add3A_12 = vector.broadcast %add3A_11 : i32 to vector<16xi32>
    %add3A_13 = arith.addi %iota3A, %add3A_12 : vector<16xi32>
    %min3A = arith.constant 15 : i32
    %min3A_14 = vector.broadcast %min3A : i32 to vector<16xi32>
    %min3A_15 = arith.minsi %add3A_13, %min3A_14 : vector<16xi32>
    %add3A_16 = arith.constant 0 : i32
    %add3A_17 = arith.addi %mul3A_6, %add3A_16 : i32
    %dma_start3A = arith.constant 0 : i32
    %dma_start3A_18 = tpu.memref_slice %arg2[%add3A_17, %dma_start3A] : memref<320000x128xf32, #tpu.memory_space<hbm>> -> memref<80x128xf32, #tpu.memory_space<hbm>>
    %dma_start3A_19 = arith.constant 0 : i32
    %dma_start3A_20 = tpu.memref_slice %arg2[%add3A_17, %dma_start3A_19] : memref<320000x128xf32, #tpu.memory_space<hbm>> -> memref<80x128xf32, #tpu.memory_space<hbm>>
    tpu.enqueue_dma source(%dma_start3A_20 : memref<80x128xf32, #tpu.memory_space<hbm>>) target(%arg8 : memref<80x128xf32, #tpu.memory_space<vmem>>) target_semaphore(%arg16 : memref<!tpu.dma_semaphore, #tpu.memory_space<semaphore_mem>>)
    %dma_start3A_21 = tpu.memref_slice %arg3[%add3A_17] : memref<320000xi32, #tpu.memory_space<hbm>> -> memref<80xi32, #tpu.memory_space<hbm>>
    %dma_start3A_22 = tpu.memref_slice %arg3[%add3A_17] : memref<320000xi32, #tpu.memory_space<hbm>> -> memref<80xi32, #tpu.memory_space<hbm>>
    tpu.enqueue_dma source(%dma_start3A_22 : memref<80xi32, #tpu.memory_space<hbm>>) target(%arg10 : memref<80xi32, #tpu.memory_space<vmem>>) target_semaphore(%arg18 : memref<!tpu.dma_semaphore, #tpu.memory_space<semaphore_mem>>)
    %add3A_23 = arith.constant 80 : i32
    %add3A_24 = arith.addi %mul3A_6, %add3A_23 : i32
    %dma_start3A_25 = arith.constant 0 : i32
    %dma_start3A_26 = tpu.memref_slice %arg2[%add3A_24, %dma_start3A_25] : memref<320000x128xf32, #tpu.memory_space<hbm>> -> memref<80x128xf32, #tpu.memory_space<hbm>>
    %dma_start3A_27 = arith.constant 0 : i32
    %dma_start3A_28 = tpu.memref_slice %arg2[%add3A_24, %dma_start3A_27] : memref<320000x128xf32, #tpu.memory_space<hbm>> -> memref<80x128xf32, #tpu.memory_space<hbm>>
    tpu.enqueue_dma source(%dma_start3A_28 : memref<80x128xf32, #tpu.memory_space<hbm>>) target(%arg9 : memref<80x128xf32, #tpu.memory_space<vmem>>) target_semaphore(%arg17 : memref<!tpu.dma_semaphore, #tpu.memory_space<semaphore_mem>>)
    %dma_start3A_29 = tpu.memref_slice %arg3[%add3A_24] : memref<320000xi32, #tpu.memory_space<hbm>> -> memref<80xi32, #tpu.memory_space<hbm>>
    %dma_start3A_30 = tpu.memref_slice %arg3[%add3A_24] : memref<320000xi32, #tpu.memory_space<hbm>> -> memref<80xi32, #tpu.memory_space<hbm>>
    tpu.enqueue_dma source(%dma_start3A_30 : memref<80xi32, #tpu.memory_space<hbm>>) target(%arg11 : memref<80xi32, #tpu.memory_space<vmem>>) target_semaphore(%arg19 : memref<!tpu.dma_semaphore, #tpu.memory_space<semaphore_mem>>)
    %scan3A = arith.constant 0 : i32
    %scan3A_31 = arith.constant 62 : i32
    %scan3A_32 = arith.addi %scan3A, %scan3A_31 : i32
    %scan3A_33 = arith.constant 1 : i32
    scf.for %scan3A_249 = %scan3A to %scan3A_32 step %scan3A_33  : i32 {
      %mul3A_250 = arith.constant 1 : i32
      %mul3A_251 = arith.muli %scan3A_249, %mul3A_250 : i32
      %add3A_252 = arith.constant 0 : i32
      %add3A_253 = arith.addi %add3A_252, %mul3A_251 : i32
      %mul3A_254 = arith.constant 2 : i32
      %mul3A_255 = arith.muli %mul3A_254, %add3A_253 : i32
      %dma_wait3A_256 = arith.constant 0 : i32
      %dma_wait3A_257 = arith.constant 0 : i32
      %dma_wait3A_258 = tpu.memref_slice %arg2[%dma_wait3A_256, %dma_wait3A_257] : memref<320000x128xf32, #tpu.memory_space<hbm>> -> memref<80x128xf32, #tpu.memory_space<hbm>>
      %dma_wait3A_259 = arith.constant 0 : i32
      %dma_wait3A_260 = arith.constant 0 : i32
      %dma_wait3A_261 = tpu.memref_slice %arg2[%dma_wait3A_259, %dma_wait3A_260] : memref<320000x128xf32, #tpu.memory_space<hbm>> -> memref<80x128xf32, #tpu.memory_space<hbm>>
      tpu.wait_dma2 semaphore(%arg16 : memref<!tpu.dma_semaphore, #tpu.memory_space<semaphore_mem>>) src(%dma_wait3A_261 : memref<80x128xf32, #tpu.memory_space<hbm>>) dst(%arg8 : memref<80x128xf32, #tpu.memory_space<vmem>>)
      %dma_wait3A_262 = arith.constant 0 : i32
      %dma_wait3A_263 = tpu.memref_slice %arg3[%dma_wait3A_262] : memref<320000xi32, #tpu.memory_space<hbm>> -> memref<80xi32, #tpu.memory_space<hbm>>
      %dma_wait3A_264 = arith.constant 0 : i32
      %dma_wait3A_265 = tpu.memref_slice %arg3[%dma_wait3A_264] : memref<320000xi32, #tpu.memory_space<hbm>> -> memref<80xi32, #tpu.memory_space<hbm>>
      tpu.wait_dma2 semaphore(%arg18 : memref<!tpu.dma_semaphore, #tpu.memory_space<semaphore_mem>>) src(%dma_wait3A_265 : memref<80xi32, #tpu.memory_space<hbm>>) dst(%arg10 : memref<80xi32, #tpu.memory_space<vmem>>)
      %dma_start3A_266 = arith.constant 0 : i32
      %dma_start3A_267 = arith.constant 0 : i32
      %dma_start3A_268 = tpu.memref_slice %arg14[%dma_start3A_266, %dma_start3A_267] : memref<10240x128xf32, #tpu.memory_space<vmem_shared>> -> memref<10240x128xf32, #tpu.memory_space<vmem_shared>>
      tpu.enqueue_indirect_dma source(%arg8 : memref<80x128xf32, #tpu.memory_space<vmem>>) target(%dma_start3A_268 : memref<10240x128xf32, #tpu.memory_space<vmem_shared>>) offsets(%arg10 : memref<80xi32, #tpu.memory_space<vmem>>) semaphore(%arg20 : memref<!tpu.dma_semaphore, #tpu.memory_space<semaphore_mem>>) {add = true}
      %get3A_269 = arith.constant 0 : index
      %get3A_270 = tpu.vector_load %arg10[%get3A_269] {strides = array<i32>} : memref<80xi32, #tpu.memory_space<vmem>>, vector<16xi32>,
      %broadcast_in_dim3A_271 = vector.shape_cast %max3A_10 : vector<16xi32> to vector<16x1xi32>
      %gather3A_272 = vector.shape_cast %broadcast_in_dim3A_271 : vector<16x1xi32> to vector<16xi32>
      %gather3A_273 = tpu.dynamic_gather %get3A_270[%gather3A_272] in [0] : vector<16xi32>, vector<16xi32> -> vector<16xi32>
      %broadcast_in_dim3A_274 = vector.shape_cast %min3A_15 : vector<16xi32> to vector<16x1xi32>
      %gather3A_275 = vector.shape_cast %broadcast_in_dim3A_274 : vector<16x1xi32> to vector<16xi32>
      %gather3A_276 = tpu.dynamic_gather %get3A_270[%gather3A_275] in [0] : vector<16xi32>, vector<16xi32> -> vector<16xi32>
      %ne3A_277 = arith.cmpi ne, %get3A_270, %gather3A_273 : vector<16xi32>
      %eq3A_278 = arith.constant 0 : i32
      %eq3A_279 = vector.broadcast %eq3A_278 : i32 to vector<16xi32>
      %eq3A_280 = arith.cmpi eq, %iota3A, %eq3A_279 : vector<16xi32>
      %or3A_281 = arith.ori %ne3A_277, %eq3A_280 : vector<16xi1>
      %jit3A_282 = arith.constant 0 : i32
      %broadcast_in_dim3A_283 = vector.broadcast %jit3A_282 : i32 to vector<16xi32>
      %select_n3A_284 = arith.select %or3A_281, %iota3A, %broadcast_in_dim3A_283 : vector<16xi1>, vector<16xi32>
      %broadcast_in_dim3A_285 = arith.constant true
      %broadcast_in_dim3A_286 = vector.broadcast %broadcast_in_dim3A_285 : i1 to vector<16xi1>
      %masked_cummax3A_287 = arith.constant -2147483648 : i32
      %masked_cummax3A_288 = vector.broadcast %masked_cummax3A_287 : i32 to vector<16xi32>
      %masked_cummax3A_289 = arith.xori %select_n3A_284, %masked_cummax3A_288 : vector<16xi32>
      %masked_cummax3A_290 = tpu.scan <max>, %masked_cummax3A_289 masked %broadcast_in_dim3A_286 : vector<16xi32>, vector<16xi1> -> vector<16xi32>
      %masked_cummax3A_291 = arith.xori %masked_cummax3A_290, %masked_cummax3A_288 : vector<16xi32>
      %sub3A_292 = arith.subi %iota3A, %masked_cummax3A_291 : vector<16xi32>
      %add3A_293 = arith.constant 1 : i32
      %add3A_294 = vector.broadcast %add3A_293 : i32 to vector<16xi32>
      %add3A_295 = arith.addi %sub3A_292, %add3A_294 : vector<16xi32>
      %convert_element_type3A_296 = arith.sitofp %add3A_295 : vector<16xi32> to vector<16xf32>
      %ne3A_297 = arith.cmpi ne, %get3A_270, %gather3A_276 : vector<16xi32>
      %eq3A_298 = arith.constant 15 : i32
      %eq3A_299 = vector.broadcast %eq3A_298 : i32 to vector<16xi32>
      %eq3A_300 = arith.cmpi eq, %iota3A, %eq3A_299 : vector<16xi32>
      %or3A_301 = arith.ori %ne3A_297, %eq3A_300 : vector<16xi1>
      %shift_right_arithmetic3A_302 = arith.constant 7 : i32
      %shift_right_arithmetic3A_303 = vector.broadcast %shift_right_arithmetic3A_302 : i32 to vector<16xi32>
      %shift_right_arithmetic3A_304 = arith.shrsi %get3A_270, %shift_right_arithmetic3A_303 : vector<16xi32>
      %and3A_305 = arith.constant 127 : i32
      %and3A_306 = vector.broadcast %and3A_305 : i32 to vector<16xi32>
      %and3A_307 = arith.andi %get3A_270, %and3A_306 : vector<16xi32>
      tpu.vector_store_idx %arg12[%shift_right_arithmetic3A_304, %and3A_307], %convert_element_type3A_296 masked %or3A_301 {add = true} : memref<80x128xf32, #tpu.memory_space<vmem>>[vector<16xi32>, vector<16xi32>], vector<16xf32>, vector<16xi1>
      %get3A_308 = arith.constant 16 : index
      %get3A_309 = tpu.vector_load %arg10[%get3A_308] {strides = array<i32>} : memref<80xi32, #tpu.memory_space<vmem>>, vector<16xi32>,
      %broadcast_in_dim3A_310 = vector.shape_cast %max3A_10 : vector<16xi32> to vector<16x1xi32>
      %gather3A_311 = vector.shape_cast %broadcast_in_dim3A_310 : vector<16x1xi32> to vector<16xi32>
      %gather3A_312 = tpu.dynamic_gather %get3A_309[%gather3A_311] in [0] : vector<16xi32>, vector<16xi32> -> vector<16xi32>
      %broadcast_in_dim3A_313 = vector.shape_cast %min3A_15 : vector<16xi32> to vector<16x1xi32>
      %gather3A_314 = vector.shape_cast %broadcast_in_dim3A_313 : vector<16x1xi32> to vector<16xi32>
      %gather3A_315 = tpu.dynamic_gather %get3A_309[%gather3A_314] in [0] : vector<16xi32>, vector<16xi32> -> vector<16xi32>
      %ne3A_316 = arith.cmpi ne, %get3A_309, %gather3A_312 : vector<16xi32>
      %eq3A_317 = arith.constant 0 : i32
      %eq3A_318 = vector.broadcast %eq3A_317 : i32 to vector<16xi32>
      %eq3A_319 = arith.cmpi eq, %iota3A, %eq3A_318 : vector<16xi32>
      %or3A_320 = arith.ori %ne3A_316, %eq3A_319 : vector<16xi1>
      %jit3A_321 = arith.constant 0 : i32
      %broadcast_in_dim3A_322 = vector.broadcast %jit3A_321 : i32 to vector<16xi32>
      %select_n3A_323 = arith.select %or3A_320, %iota3A, %broadcast_in_dim3A_322 : vector<16xi1>, vector<16xi32>
      %broadcast_in_dim3A_324 = arith.constant true
      %broadcast_in_dim3A_325 = vector.broadcast %broadcast_in_dim3A_324 : i1 to vector<16xi1>
      %masked_cummax3A_326 = arith.constant -2147483648 : i32
      %masked_cummax3A_327 = vector.broadcast %masked_cummax3A_326 : i32 to vector<16xi32>
      %masked_cummax3A_328 = arith.xori %select_n3A_323, %masked_cummax3A_327 : vector<16xi32>
      %masked_cummax3A_329 = tpu.scan <max>, %masked_cummax3A_328 masked %broadcast_in_dim3A_325 : vector<16xi32>, vector<16xi1> -> vector<16xi32>
      %masked_cummax3A_330 = arith.xori %masked_cummax3A_329, %masked_cummax3A_327 : vector<16xi32>
      %sub3A_331 = arith.subi %iota3A, %masked_cummax3A_330 : vector<16xi32>
      %add3A_332 = arith.constant 1 : i32
      %add3A_333 = vector.broadcast %add3A_332 : i32 to vector<16xi32>
      %add3A_334 = arith.addi %sub3A_331, %add3A_333 : vector<16xi32>
      %convert_element_type3A_335 = arith.sitofp %add3A_334 : vector<16xi32> to vector<16xf32>
      %ne3A_336 = arith.cmpi ne, %get3A_309, %gather3A_315 : vector<16xi32>
      %eq3A_337 = arith.constant 15 : i32
      %eq3A_338 = vector.broadcast %eq3A_337 : i32 to vector<16xi32>
      %eq3A_339 = arith.cmpi eq, %iota3A, %eq3A_338 : vector<16xi32>
      %or3A_340 = arith.ori %ne3A_336, %eq3A_339 : vector<16xi1>
      %shift_right_arithmetic3A_341 = arith.constant 7 : i32
      %shift_right_arithmetic3A_342 = vector.broadcast %shift_right_arithmetic3A_341 : i32 to vector<16xi32>
      %shift_right_arithmetic3A_343 = arith.shrsi %get3A_309, %shift_right_arithmetic3A_342 : vector<16xi32>
      %and3A_344 = arith.constant 127 : i32
      %and3A_345 = vector.broadcast %and3A_344 : i32 to vector<16xi32>
      %and3A_346 = arith.andi %get3A_309, %and3A_345 : vector<16xi32>
      tpu.vector_store_idx %arg12[%shift_right_arithmetic3A_343, %and3A_346], %convert_element_type3A_335 masked %or3A_340 {add = true} : memref<80x128xf32, #tpu.memory_space<vmem>>[vector<16xi32>, vector<16xi32>], vector<16xf32>, vector<16xi1>
      %get3A_347 = arith.constant 32 : index
      %get3A_348 = tpu.vector_load %arg10[%get3A_347] {strides = array<i32>} : memref<80xi32, #tpu.memory_space<vmem>>, vector<16xi32>,
      %broadcast_in_dim3A_349 = vector.shape_cast %max3A_10 : vector<16xi32> to vector<16x1xi32>
      %gather3A_350 = vector.shape_cast %broadcast_in_dim3A_349 : vector<16x1xi32> to vector<16xi32>
      %gather3A_351 = tpu.dynamic_gather %get3A_348[%gather3A_350] in [0] : vector<16xi32>, vector<16xi32> -> vector<16xi32>
      %broadcast_in_dim3A_352 = vector.shape_cast %min3A_15 : vector<16xi32> to vector<16x1xi32>
      %gather3A_353 = vector.shape_cast %broadcast_in_dim3A_352 : vector<16x1xi32> to vector<16xi32>
      %gather3A_354 = tpu.dynamic_gather %get3A_348[%gather3A_353] in [0] : vector<16xi32>, vector<16xi32> -> vector<16xi32>
      %ne3A_355 = arith.cmpi ne, %get3A_348, %gather3A_351 : vector<16xi32>
      %eq3A_356 = arith.constant 0 : i32
      %eq3A_357 = vector.broadcast %eq3A_356 : i32 to vector<16xi32>
      %eq3A_358 = arith.cmpi eq, %iota3A, %eq3A_357 : vector<16xi32>
      %or3A_359 = arith.ori %ne3A_355, %eq3A_358 : vector<16xi1>
      %jit3A_360 = arith.constant 0 : i32
      %broadcast_in_dim3A_361 = vector.broadcast %jit3A_360 : i32 to vector<16xi32>
      %select_n3A_362 = arith.select %or3A_359, %iota3A, %broadcast_in_dim3A_361 : vector<16xi1>, vector<16xi32>
      %broadcast_in_dim3A_363 = arith.constant true
      %broadcast_in_dim3A_364 = vector.broadcast %broadcast_in_dim3A_363 : i1 to vector<16xi1>
      %masked_cummax3A_365 = arith.constant -2147483648 : i32
      %masked_cummax3A_366 = vector.broadcast %masked_cummax3A_365 : i32 to vector<16xi32>
      %masked_cummax3A_367 = arith.xori %select_n3A_362, %masked_cummax3A_366 : vector<16xi32>
      %masked_cummax3A_368 = tpu.scan <max>, %masked_cummax3A_367 masked %broadcast_in_dim3A_364 : vector<16xi32>, vector<16xi1> -> vector<16xi32>
      %masked_cummax3A_369 = arith.xori %masked_cummax3A_368, %masked_cummax3A_366 : vector<16xi32>
      %sub3A_370 = arith.subi %iota3A, %masked_cummax3A_369 : vector<16xi32>
      %add3A_371 = arith.constant 1 : i32
      %add3A_372 = vector.broadcast %add3A_371 : i32 to vector<16xi32>
      %add3A_373 = arith.addi %sub3A_370, %add3A_372 : vector<16xi32>
      %convert_element_type3A_374 = arith.sitofp %add3A_373 : vector<16xi32> to vector<16xf32>
      %ne3A_375 = arith.cmpi ne, %get3A_348, %gather3A_354 : vector<16xi32>
      %eq3A_376 = arith.constant 15 : i32
      %eq3A_377 = vector.broadcast %eq3A_376 : i32 to vector<16xi32>
      %eq3A_378 = arith.cmpi eq, %iota3A, %eq3A_377 : vector<16xi32>
      %or3A_379 = arith.ori %ne3A_375, %eq3A_378 : vector<16xi1>
      %shift_right_arithmetic3A_380 = arith.constant 7 : i32
      %shift_right_arithmetic3A_381 = vector.broadcast %shift_right_arithmetic3A_380 : i32 to vector<16xi32>
      %shift_right_arithmetic3A_382 = arith.shrsi %get3A_348, %shift_right_arithmetic3A_381 : vector<16xi32>
      %and3A_383 = arith.constant 127 : i32
      %and3A_384 = vector.broadcast %and3A_383 : i32 to vector<16xi32>
      %and3A_385 = arith.andi %get3A_348, %and3A_384 : vector<16xi32>
      tpu.vector_store_idx %arg12[%shift_right_arithmetic3A_382, %and3A_385], %convert_element_type3A_374 masked %or3A_379 {add = true} : memref<80x128xf32, #tpu.memory_space<vmem>>[vector<16xi32>, vector<16xi32>], vector<16xf32>, vector<16xi1>
      %get3A_386 = arith.constant 48 : index
      %get3A_387 = tpu.vector_load %arg10[%get3A_386] {strides = array<i32>} : memref<80xi32, #tpu.memory_space<vmem>>, vector<16xi32>,
      %broadcast_in_dim3A_388 = vector.shape_cast %max3A_10 : vector<16xi32> to vector<16x1xi32>
      %gather3A_389 = vector.shape_cast %broadcast_in_dim3A_388 : vector<16x1xi32> to vector<16xi32>
      %gather3A_390 = tpu.dynamic_gather %get3A_387[%gather3A_389] in [0] : vector<16xi32>, vector<16xi32> -> vector<16xi32>
      %broadcast_in_dim3A_391 = vector.shape_cast %min3A_15 : vector<16xi32> to vector<16x1xi32>
      %gather3A_392 = vector.shape_cast %broadcast_in_dim3A_391 : vector<16x1xi32> to vector<16xi32>
      %gather3A_393 = tpu.dynamic_gather %get3A_387[%gather3A_392] in [0] : vector<16xi32>, vector<16xi32> -> vector<16xi32>
      %ne3A_394 = arith.cmpi ne, %get3A_387, %gather3A_390 : vector<16xi32>
      %eq3A_395 = arith.constant 0 : i32
      %eq3A_396 = vector.broadcast %eq3A_395 : i32 to vector<16xi32>
      %eq3A_397 = arith.cmpi eq, %iota3A, %eq3A_396 : vector<16xi32>
      %or3A_398 = arith.ori %ne3A_394, %eq3A_397 : vector<16xi1>
      %jit3A_399 = arith.constant 0 : i32
      %broadcast_in_dim3A_400 = vector.broadcast %jit3A_399 : i32 to vector<16xi32>
      %select_n3A_401 = arith.select %or3A_398, %iota3A, %broadcast_in_dim3A_400 : vector<16xi1>, vector<16xi32>
      %broadcast_in_dim3A_402 = arith.constant true
      %broadcast_in_dim3A_403 = vector.broadcast %broadcast_in_dim3A_402 : i1 to vector<16xi1>
      %masked_cummax3A_404 = arith.constant -2147483648 : i32
      %masked_cummax3A_405 = vector.broadcast %masked_cummax3A_404 : i32 to vector<16xi32>
      %masked_cummax3A_406 = arith.xori %select_n3A_401, %masked_cummax3A_405 : vector<16xi32>
      %masked_cummax3A_407 = tpu.scan <max>, %masked_cummax3A_406 masked %broadcast_in_dim3A_403 : vector<16xi32>, vector<16xi1> -> vector<16xi32>
      %masked_cummax3A_408 = arith.xori %masked_cummax3A_407, %masked_cummax3A_405 : vector<16xi32>
      %sub3A_409 = arith.subi %iota3A, %masked_cummax3A_408 : vector<16xi32>
      %add3A_410 = arith.constant 1 : i32
      %add3A_411 = vector.broadcast %add3A_410 : i32 to vector<16xi32>
      %add3A_412 = arith.addi %sub3A_409, %add3A_411 : vector<16xi32>
      %convert_element_type3A_413 = arith.sitofp %add3A_412 : vector<16xi32> to vector<16xf32>
      %ne3A_414 = arith.cmpi ne, %get3A_387, %gather3A_393 : vector<16xi32>
      %eq3A_415 = arith.constant 15 : i32
      %eq3A_416 = vector.broadcast %eq3A_415 : i32 to vector<16xi32>
      %eq3A_417 = arith.cmpi eq, %iota3A, %eq3A_416 : vector<16xi32>
      %or3A_418 = arith.ori %ne3A_414, %eq3A_417 : vector<16xi1>
      %shift_right_arithmetic3A_419 = arith.constant 7 : i32
      %shift_right_arithmetic3A_420 = vector.broadcast %shift_right_arithmetic3A_419 : i32 to vector<16xi32>
      %shift_right_arithmetic3A_421 = arith.shrsi %get3A_387, %shift_right_arithmetic3A_420 : vector<16xi32>
      %and3A_422 = arith.constant 127 : i32
      %and3A_423 = vector.broadcast %and3A_422 : i32 to vector<16xi32>
      %and3A_424 = arith.andi %get3A_387, %and3A_423 : vector<16xi32>
      tpu.vector_store_idx %arg12[%shift_right_arithmetic3A_421, %and3A_424], %convert_element_type3A_413 masked %or3A_418 {add = true} : memref<80x128xf32, #tpu.memory_space<vmem>>[vector<16xi32>, vector<16xi32>], vector<16xf32>, vector<16xi1>
      %get3A_425 = arith.constant 64 : index
      %get3A_426 = tpu.vector_load %arg10[%get3A_425] {strides = array<i32>} : memref<80xi32, #tpu.memory_space<vmem>>, vector<16xi32>,
      %broadcast_in_dim3A_427 = vector.shape_cast %max3A_10 : vector<16xi32> to vector<16x1xi32>
      %gather3A_428 = vector.shape_cast %broadcast_in_dim3A_427 : vector<16x1xi32> to vector<16xi32>
      %gather3A_429 = tpu.dynamic_gather %get3A_426[%gather3A_428] in [0] : vector<16xi32>, vector<16xi32> -> vector<16xi32>
      %broadcast_in_dim3A_430 = vector.shape_cast %min3A_15 : vector<16xi32> to vector<16x1xi32>
      %gather3A_431 = vector.shape_cast %broadcast_in_dim3A_430 : vector<16x1xi32> to vector<16xi32>
      %gather3A_432 = tpu.dynamic_gather %get3A_426[%gather3A_431] in [0] : vector<16xi32>, vector<16xi32> -> vector<16xi32>
      %ne3A_433 = arith.cmpi ne, %get3A_426, %gather3A_429 : vector<16xi32>
      %eq3A_434 = arith.constant 0 : i32
      %eq3A_435 = vector.broadcast %eq3A_434 : i32 to vector<16xi32>
      %eq3A_436 = arith.cmpi eq, %iota3A, %eq3A_435 : vector<16xi32>
      %or3A_437 = arith.ori %ne3A_433, %eq3A_436 : vector<16xi1>
      %jit3A_438 = arith.constant 0 : i32
      %broadcast_in_dim3A_439 = vector.broadcast %jit3A_438 : i32 to vector<16xi32>
      %select_n3A_440 = arith.select %or3A_437, %iota3A, %broadcast_in_dim3A_439 : vector<16xi1>, vector<16xi32>
      %broadcast_in_dim3A_441 = arith.constant true
      %broadcast_in_dim3A_442 = vector.broadcast %broadcast_in_dim3A_441 : i1 to vector<16xi1>
      %masked_cummax3A_443 = arith.constant -2147483648 : i32
      %masked_cummax3A_444 = vector.broadcast %masked_cummax3A_443 : i32 to vector<16xi32>
      %masked_cummax3A_445 = arith.xori %select_n3A_440, %masked_cummax3A_444 : vector<16xi32>
      %masked_cummax3A_446 = tpu.scan <max>, %masked_cummax3A_445 masked %broadcast_in_dim3A_442 : vector<16xi32>, vector<16xi1> -> vector<16xi32>
      %masked_cummax3A_447 = arith.xori %masked_cummax3A_446, %masked_cummax3A_444 : vector<16xi32>
      %sub3A_448 = arith.subi %iota3A, %masked_cummax3A_447 : vector<16xi32>
      %add3A_449 = arith.constant 1 : i32
      %add3A_450 = vector.broadcast %add3A_449 : i32 to vector<16xi32>
      %add3A_451 = arith.addi %sub3A_448, %add3A_450 : vector<16xi32>
      %convert_element_type3A_452 = arith.sitofp %add3A_451 : vector<16xi32> to vector<16xf32>
      %ne3A_453 = arith.cmpi ne, %get3A_426, %gather3A_432 : vector<16xi32>
      %eq3A_454 = arith.constant 15 : i32
      %eq3A_455 = vector.broadcast %eq3A_454 : i32 to vector<16xi32>
      %eq3A_456 = arith.cmpi eq, %iota3A, %eq3A_455 : vector<16xi32>
      %or3A_457 = arith.ori %ne3A_453, %eq3A_456 : vector<16xi1>
      %shift_right_arithmetic3A_458 = arith.constant 7 : i32
      %shift_right_arithmetic3A_459 = vector.broadcast %shift_right_arithmetic3A_458 : i32 to vector<16xi32>
      %shift_right_arithmetic3A_460 = arith.shrsi %get3A_426, %shift_right_arithmetic3A_459 : vector<16xi32>
      %and3A_461 = arith.constant 127 : i32
      %and3A_462 = vector.broadcast %and3A_461 : i32 to vector<16xi32>
      %and3A_463 = arith.andi %get3A_426, %and3A_462 : vector<16xi32>
      tpu.vector_store_idx %arg12[%shift_right_arithmetic3A_460, %and3A_463], %convert_element_type3A_452 masked %or3A_457 {add = true} : memref<80x128xf32, #tpu.memory_space<vmem>>[vector<16xi32>, vector<16xi32>], vector<16xf32>, vector<16xi1>
      %dma_wait3A_464 = arith.constant 0 : i32
      %dma_wait3A_465 = arith.constant 0 : i32
      %dma_wait3A_466 = tpu.memref_slice %arg14[%dma_wait3A_464, %dma_wait3A_465] : memref<10240x128xf32, #tpu.memory_space<vmem_shared>> -> memref<10240x128xf32, #tpu.memory_space<vmem_shared>>
      tpu.wait_indirect_dma semaphore(%arg20 : memref<!tpu.dma_semaphore, #tpu.memory_space<semaphore_mem>>) src(%arg8 : memref<80x128xf32, #tpu.memory_space<vmem>>) dst(%dma_wait3A_466 : memref<10240x128xf32, #tpu.memory_space<vmem_shared>>)
      %add3A_467 = arith.constant 2 : i32
      %add3A_468 = arith.addi %mul3A_255, %add3A_467 : i32
      %mul3A_469 = arith.constant 80 : i32
      %mul3A_470 = arith.muli %add3A_468, %mul3A_469 : i32
      %add3A_471 = arith.addi %mul3A_6, %mul3A_470 : i32
      %dma_start3A_472 = arith.constant 0 : i32
      %dma_start3A_473 = tpu.memref_slice %arg2[%add3A_471, %dma_start3A_472] : memref<320000x128xf32, #tpu.memory_space<hbm>> -> memref<80x128xf32, #tpu.memory_space<hbm>>
      %dma_start3A_474 = arith.constant 0 : i32
      %dma_start3A_475 = tpu.memref_slice %arg2[%add3A_471, %dma_start3A_474] : memref<320000x128xf32, #tpu.memory_space<hbm>> -> memref<80x128xf32, #tpu.memory_space<hbm>>
      tpu.enqueue_dma source(%dma_start3A_475 : memref<80x128xf32, #tpu.memory_space<hbm>>) target(%arg8 : memref<80x128xf32, #tpu.memory_space<vmem>>) target_semaphore(%arg16 : memref<!tpu.dma_semaphore, #tpu.memory_space<semaphore_mem>>)
      %dma_start3A_476 = tpu.memref_slice %arg3[%add3A_471] : memref<320000xi32, #tpu.memory_space<hbm>> -> memref<80xi32, #tpu.memory_space<hbm>>
      %dma_start3A_477 = tpu.memref_slice %arg3[%add3A_471] : memref<320000xi32, #tpu.memory_space<hbm>> -> memref<80xi32, #tpu.memory_space<hbm>>
      tpu.enqueue_dma source(%dma_start3A_477 : memref<80xi32, #tpu.memory_space<hbm>>) target(%arg10 : memref<80xi32, #tpu.memory_space<vmem>>) target_semaphore(%arg18 : memref<!tpu.dma_semaphore, #tpu.memory_space<semaphore_mem>>)
      %dma_wait3A_478 = arith.constant 0 : i32
      %dma_wait3A_479 = arith.constant 0 : i32
      %dma_wait3A_480 = tpu.memref_slice %arg2[%dma_wait3A_478, %dma_wait3A_479] : memref<320000x128xf32, #tpu.memory_space<hbm>> -> memref<80x128xf32, #tpu.memory_space<hbm>>
      %dma_wait3A_481 = arith.constant 0 : i32
      %dma_wait3A_482 = arith.constant 0 : i32
      %dma_wait3A_483 = tpu.memref_slice %arg2[%dma_wait3A_481, %dma_wait3A_482] : memref<320000x128xf32, #tpu.memory_space<hbm>> -> memref<80x128xf32, #tpu.memory_space<hbm>>
      tpu.wait_dma2 semaphore(%arg17 : memref<!tpu.dma_semaphore, #tpu.memory_space<semaphore_mem>>) src(%dma_wait3A_483 : memref<80x128xf32, #tpu.memory_space<hbm>>) dst(%arg9 : memref<80x128xf32, #tpu.memory_space<vmem>>)
      %dma_wait3A_484 = arith.constant 0 : i32
      %dma_wait3A_485 = tpu.memref_slice %arg3[%dma_wait3A_484] : memref<320000xi32, #tpu.memory_space<hbm>> -> memref<80xi32, #tpu.memory_space<hbm>>
      %dma_wait3A_486 = arith.constant 0 : i32
      %dma_wait3A_487 = tpu.memref_slice %arg3[%dma_wait3A_486] : memref<320000xi32, #tpu.memory_space<hbm>> -> memref<80xi32, #tpu.memory_space<hbm>>
      tpu.wait_dma2 semaphore(%arg19 : memref<!tpu.dma_semaphore, #tpu.memory_space<semaphore_mem>>) src(%dma_wait3A_487 : memref<80xi32, #tpu.memory_space<hbm>>) dst(%arg11 : memref<80xi32, #tpu.memory_space<vmem>>)
      %dma_start3A_488 = arith.constant 0 : i32
      %dma_start3A_489 = arith.constant 0 : i32
      %dma_start3A_490 = tpu.memref_slice %arg14[%dma_start3A_488, %dma_start3A_489] : memref<10240x128xf32, #tpu.memory_space<vmem_shared>> -> memref<10240x128xf32, #tpu.memory_space<vmem_shared>>
      tpu.enqueue_indirect_dma source(%arg9 : memref<80x128xf32, #tpu.memory_space<vmem>>) target(%dma_start3A_490 : memref<10240x128xf32, #tpu.memory_space<vmem_shared>>) offsets(%arg11 : memref<80xi32, #tpu.memory_space<vmem>>) semaphore(%arg20 : memref<!tpu.dma_semaphore, #tpu.memory_space<semaphore_mem>>) {add = true}
      %get3A_491 = arith.constant 0 : index
      %get3A_492 = tpu.vector_load %arg11[%get3A_491] {strides = array<i32>} : memref<80xi32, #tpu.memory_space<vmem>>, vector<16xi32>,
      %broadcast_in_dim3A_493 = vector.shape_cast %max3A_10 : vector<16xi32> to vector<16x1xi32>
      %gather3A_494 = vector.shape_cast %broadcast_in_dim3A_493 : vector<16x1xi32> to vector<16xi32>
      %gather3A_495 = tpu.dynamic_gather %get3A_492[%gather3A_494] in [0] : vector<16xi32>, vector<16xi32> -> vector<16xi32>
      %broadcast_in_dim3A_496 = vector.shape_cast %min3A_15 : vector<16xi32> to vector<16x1xi32>
      %gather3A_497 = vector.shape_cast %broadcast_in_dim3A_496 : vector<16x1xi32> to vector<16xi32>
      %gather3A_498 = tpu.dynamic_gather %get3A_492[%gather3A_497] in [0] : vector<16xi32>, vector<16xi32> -> vector<16xi32>
      %ne3A_499 = arith.cmpi ne, %get3A_492, %gather3A_495 : vector<16xi32>
      %eq3A_500 = arith.constant 0 : i32
      %eq3A_501 = vector.broadcast %eq3A_500 : i32 to vector<16xi32>
      %eq3A_502 = arith.cmpi eq, %iota3A, %eq3A_501 : vector<16xi32>
      %or3A_503 = arith.ori %ne3A_499, %eq3A_502 : vector<16xi1>
      %jit3A_504 = arith.constant 0 : i32
      %broadcast_in_dim3A_505 = vector.broadcast %jit3A_504 : i32 to vector<16xi32>
      %select_n3A_506 = arith.select %or3A_503, %iota3A, %broadcast_in_dim3A_505 : vector<16xi1>, vector<16xi32>
      %broadcast_in_dim3A_507 = arith.constant true
      %broadcast_in_dim3A_508 = vector.broadcast %broadcast_in_dim3A_507 : i1 to vector<16xi1>
      %masked_cummax3A_509 = arith.constant -2147483648 : i32
      %masked_cummax3A_510 = vector.broadcast %masked_cummax3A_509 : i32 to vector<16xi32>
      %masked_cummax3A_511 = arith.xori %select_n3A_506, %masked_cummax3A_510 : vector<16xi32>
      %masked_cummax3A_512 = tpu.scan <max>, %masked_cummax3A_511 masked %broadcast_in_dim3A_508 : vector<16xi32>, vector<16xi1> -> vector<16xi32>
      %masked_cummax3A_513 = arith.xori %masked_cummax3A_512, %masked_cummax3A_510 : vector<16xi32>
      %sub3A_514 = arith.subi %iota3A, %masked_cummax3A_513 : vector<16xi32>
      %add3A_515 = arith.constant 1 : i32
      %add3A_516 = vector.broadcast %add3A_515 : i32 to vector<16xi32>
      %add3A_517 = arith.addi %sub3A_514, %add3A_516 : vector<16xi32>
      %convert_element_type3A_518 = arith.sitofp %add3A_517 : vector<16xi32> to vector<16xf32>
      %ne3A_519 = arith.cmpi ne, %get3A_492, %gather3A_498 : vector<16xi32>
      %eq3A_520 = arith.constant 15 : i32
      %eq3A_521 = vector.broadcast %eq3A_520 : i32 to vector<16xi32>
      %eq3A_522 = arith.cmpi eq, %iota3A, %eq3A_521 : vector<16xi32>
      %or3A_523 = arith.ori %ne3A_519, %eq3A_522 : vector<16xi1>
      %shift_right_arithmetic3A_524 = arith.constant 7 : i32
      %shift_right_arithmetic3A_525 = vector.broadcast %shift_right_arithmetic3A_524 : i32 to vector<16xi32>
      %shift_right_arithmetic3A_526 = arith.shrsi %get3A_492, %shift_right_arithmetic3A_525 : vector<16xi32>
      %and3A_527 = arith.constant 127 : i32
      %and3A_528 = vector.broadcast %and3A_527 : i32 to vector<16xi32>
      %and3A_529 = arith.andi %get3A_492, %and3A_528 : vector<16xi32>
      tpu.vector_store_idx %arg12[%shift_right_arithmetic3A_526, %and3A_529], %convert_element_type3A_518 masked %or3A_523 {add = true} : memref<80x128xf32, #tpu.memory_space<vmem>>[vector<16xi32>, vector<16xi32>], vector<16xf32>, vector<16xi1>
      %get3A_530 = arith.constant 16 : index
      %get3A_531 = tpu.vector_load %arg11[%get3A_530] {strides = array<i32>} : memref<80xi32, #tpu.memory_space<vmem>>, vector<16xi32>,
      %broadcast_in_dim3A_532 = vector.shape_cast %max3A_10 : vector<16xi32> to vector<16x1xi32>
      %gather3A_533 = vector.shape_cast %broadcast_in_dim3A_532 : vector<16x1xi32> to vector<16xi32>
      %gather3A_534 = tpu.dynamic_gather %get3A_531[%gather3A_533] in [0] : vector<16xi32>, vector<16xi32> -> vector<16xi32>
      %broadcast_in_dim3A_535 = vector.shape_cast %min3A_15 : vector<16xi32> to vector<16x1xi32>
      %gather3A_536 = vector.shape_cast %broadcast_in_dim3A_535 : vector<16x1xi32> to vector<16xi32>
      %gather3A_537 = tpu.dynamic_gather %get3A_531[%gather3A_536] in [0] : vector<16xi32>, vector<16xi32> -> vector<16xi32>
      %ne3A_538 = arith.cmpi ne, %get3A_531, %gather3A_534 : vector<16xi32>
      %eq3A_539 = arith.constant 0 : i32
      %eq3A_540 = vector.broadcast %eq3A_539 : i32 to vector<16xi32>
      %eq3A_541 = arith.cmpi eq, %iota3A, %eq3A_540 : vector<16xi32>
      %or3A_542 = arith.ori %ne3A_538, %eq3A_541 : vector<16xi1>
      %jit3A_543 = arith.constant 0 : i32
      %broadcast_in_dim3A_544 = vector.broadcast %jit3A_543 : i32 to vector<16xi32>
      %select_n3A_545 = arith.select %or3A_542, %iota3A, %broadcast_in_dim3A_544 : vector<16xi1>, vector<16xi32>
      %broadcast_in_dim3A_546 = arith.constant true
      %broadcast_in_dim3A_547 = vector.broadcast %broadcast_in_dim3A_546 : i1 to vector<16xi1>
      %masked_cummax3A_548 = arith.constant -2147483648 : i32
      %masked_cummax3A_549 = vector.broadcast %masked_cummax3A_548 : i32 to vector<16xi32>
      %masked_cummax3A_550 = arith.xori %select_n3A_545, %masked_cummax3A_549 : vector<16xi32>
      %masked_cummax3A_551 = tpu.scan <max>, %masked_cummax3A_550 masked %broadcast_in_dim3A_547 : vector<16xi32>, vector<16xi1> -> vector<16xi32>
      %masked_cummax3A_552 = arith.xori %masked_cummax3A_551, %masked_cummax3A_549 : vector<16xi32>
      %sub3A_553 = arith.subi %iota3A, %masked_cummax3A_552 : vector<16xi32>
      %add3A_554 = arith.constant 1 : i32
      %add3A_555 = vector.broadcast %add3A_554 : i32 to vector<16xi32>
      %add3A_556 = arith.addi %sub3A_553, %add3A_555 : vector<16xi32>
      %convert_element_type3A_557 = arith.sitofp %add3A_556 : vector<16xi32> to vector<16xf32>
      %ne3A_558 = arith.cmpi ne, %get3A_531, %gather3A_537 : vector<16xi32>
      %eq3A_559 = arith.constant 15 : i32
      %eq3A_560 = vector.broadcast %eq3A_559 : i32 to vector<16xi32>
      %eq3A_561 = arith.cmpi eq, %iota3A, %eq3A_560 : vector<16xi32>
      %or3A_562 = arith.ori %ne3A_558, %eq3A_561 : vector<16xi1>
      %shift_right_arithmetic3A_563 = arith.constant 7 : i32
      %shift_right_arithmetic3A_564 = vector.broadcast %shift_right_arithmetic3A_563 : i32 to vector<16xi32>
      %shift_right_arithmetic3A_565 = arith.shrsi %get3A_531, %shift_right_arithmetic3A_564 : vector<16xi32>
      %and3A_566 = arith.constant 127 : i32
      %and3A_567 = vector.broadcast %and3A_566 : i32 to vector<16xi32>
      %and3A_568 = arith.andi %get3A_531, %and3A_567 : vector<16xi32>
      tpu.vector_store_idx %arg12[%shift_right_arithmetic3A_565, %and3A_568], %convert_element_type3A_557 masked %or3A_562 {add = true} : memref<80x128xf32, #tpu.memory_space<vmem>>[vector<16xi32>, vector<16xi32>], vector<16xf32>, vector<16xi1>
      %get3A_569 = arith.constant 32 : index
      %get3A_570 = tpu.vector_load %arg11[%get3A_569] {strides = array<i32>} : memref<80xi32, #tpu.memory_space<vmem>>, vector<16xi32>,
      %broadcast_in_dim3A_571 = vector.shape_cast %max3A_10 : vector<16xi32> to vector<16x1xi32>
      %gather3A_572 = vector.shape_cast %broadcast_in_dim3A_571 : vector<16x1xi32> to vector<16xi32>
      %gather3A_573 = tpu.dynamic_gather %get3A_570[%gather3A_572] in [0] : vector<16xi32>, vector<16xi32> -> vector<16xi32>
      %broadcast_in_dim3A_574 = vector.shape_cast %min3A_15 : vector<16xi32> to vector<16x1xi32>
      %gather3A_575 = vector.shape_cast %broadcast_in_dim3A_574 : vector<16x1xi32> to vector<16xi32>
      %gather3A_576 = tpu.dynamic_gather %get3A_570[%gather3A_575] in [0] : vector<16xi32>, vector<16xi32> -> vector<16xi32>
      %ne3A_577 = arith.cmpi ne, %get3A_570, %gather3A_573 : vector<16xi32>
      %eq3A_578 = arith.constant 0 : i32
      %eq3A_579 = vector.broadcast %eq3A_578 : i32 to vector<16xi32>
      %eq3A_580 = arith.cmpi eq, %iota3A, %eq3A_579 : vector<16xi32>
      %or3A_581 = arith.ori %ne3A_577, %eq3A_580 : vector<16xi1>
      %jit3A_582 = arith.constant 0 : i32
      %broadcast_in_dim3A_583 = vector.broadcast %jit3A_582 : i32 to vector<16xi32>
      %select_n3A_584 = arith.select %or3A_581, %iota3A, %broadcast_in_dim3A_583 : vector<16xi1>, vector<16xi32>
      %broadcast_in_dim3A_585 = arith.constant true
      %broadcast_in_dim3A_586 = vector.broadcast %broadcast_in_dim3A_585 : i1 to vector<16xi1>
      %masked_cummax3A_587 = arith.constant -2147483648 : i32
      %masked_cummax3A_588 = vector.broadcast %masked_cummax3A_587 : i32 to vector<16xi32>
      %masked_cummax3A_589 = arith.xori %select_n3A_584, %masked_cummax3A_588 : vector<16xi32>
      %masked_cummax3A_590 = tpu.scan <max>, %masked_cummax3A_589 masked %broadcast_in_dim3A_586 : vector<16xi32>, vector<16xi1> -> vector<16xi32>
      %masked_cummax3A_591 = arith.xori %masked_cummax3A_590, %masked_cummax3A_588 : vector<16xi32>
      %sub3A_592 = arith.subi %iota3A, %masked_cummax3A_591 : vector<16xi32>
      %add3A_593 = arith.constant 1 : i32
      %add3A_594 = vector.broadcast %add3A_593 : i32 to vector<16xi32>
      %add3A_595 = arith.addi %sub3A_592, %add3A_594 : vector<16xi32>
      %convert_element_type3A_596 = arith.sitofp %add3A_595 : vector<16xi32> to vector<16xf32>
      %ne3A_597 = arith.cmpi ne, %get3A_570, %gather3A_576 : vector<16xi32>
      %eq3A_598 = arith.constant 15 : i32
      %eq3A_599 = vector.broadcast %eq3A_598 : i32 to vector<16xi32>
      %eq3A_600 = arith.cmpi eq, %iota3A, %eq3A_599 : vector<16xi32>
      %or3A_601 = arith.ori %ne3A_597, %eq3A_600 : vector<16xi1>
      %shift_right_arithmetic3A_602 = arith.constant 7 : i32
      %shift_right_arithmetic3A_603 = vector.broadcast %shift_right_arithmetic3A_602 : i32 to vector<16xi32>
      %shift_right_arithmetic3A_604 = arith.shrsi %get3A_570, %shift_right_arithmetic3A_603 : vector<16xi32>
      %and3A_605 = arith.constant 127 : i32
      %and3A_606 = vector.broadcast %and3A_605 : i32 to vector<16xi32>
      %and3A_607 = arith.andi %get3A_570, %and3A_606 : vector<16xi32>
      tpu.vector_store_idx %arg12[%shift_right_arithmetic3A_604, %and3A_607], %convert_element_type3A_596 masked %or3A_601 {add = true} : memref<80x128xf32, #tpu.memory_space<vmem>>[vector<16xi32>, vector<16xi32>], vector<16xf32>, vector<16xi1>
      %get3A_608 = arith.constant 48 : index
      %get3A_609 = tpu.vector_load %arg11[%get3A_608] {strides = array<i32>} : memref<80xi32, #tpu.memory_space<vmem>>, vector<16xi32>,
      %broadcast_in_dim3A_610 = vector.shape_cast %max3A_10 : vector<16xi32> to vector<16x1xi32>
      %gather3A_611 = vector.shape_cast %broadcast_in_dim3A_610 : vector<16x1xi32> to vector<16xi32>
      %gather3A_612 = tpu.dynamic_gather %get3A_609[%gather3A_611] in [0] : vector<16xi32>, vector<16xi32> -> vector<16xi32>
      %broadcast_in_dim3A_613 = vector.shape_cast %min3A_15 : vector<16xi32> to vector<16x1xi32>
      %gather3A_614 = vector.shape_cast %broadcast_in_dim3A_613 : vector<16x1xi32> to vector<16xi32>
      %gather3A_615 = tpu.dynamic_gather %get3A_609[%gather3A_614] in [0] : vector<16xi32>, vector<16xi32> -> vector<16xi32>
      %ne3A_616 = arith.cmpi ne, %get3A_609, %gather3A_612 : vector<16xi32>
      %eq3A_617 = arith.constant 0 : i32
      %eq3A_618 = vector.broadcast %eq3A_617 : i32 to vector<16xi32>
      %eq3A_619 = arith.cmpi eq, %iota3A, %eq3A_618 : vector<16xi32>
      %or3A_620 = arith.ori %ne3A_616, %eq3A_619 : vector<16xi1>
      %jit3A_621 = arith.constant 0 : i32
      %broadcast_in_dim3A_622 = vector.broadcast %jit3A_621 : i32 to vector<16xi32>
      %select_n3A_623 = arith.select %or3A_620, %iota3A, %broadcast_in_dim3A_622 : vector<16xi1>, vector<16xi32>
      %broadcast_in_dim3A_624 = arith.constant true
      %broadcast_in_dim3A_625 = vector.broadcast %broadcast_in_dim3A_624 : i1 to vector<16xi1>
      %masked_cummax3A_626 = arith.constant -2147483648 : i32
      %masked_cummax3A_627 = vector.broadcast %masked_cummax3A_626 : i32 to vector<16xi32>
      %masked_cummax3A_628 = arith.xori %select_n3A_623, %masked_cummax3A_627 : vector<16xi32>
      %masked_cummax3A_629 = tpu.scan <max>, %masked_cummax3A_628 masked %broadcast_in_dim3A_625 : vector<16xi32>, vector<16xi1> -> vector<16xi32>
      %masked_cummax3A_630 = arith.xori %masked_cummax3A_629, %masked_cummax3A_627 : vector<16xi32>
      %sub3A_631 = arith.subi %iota3A, %masked_cummax3A_630 : vector<16xi32>
      %add3A_632 = arith.constant 1 : i32
      %add3A_633 = vector.broadcast %add3A_632 : i32 to vector<16xi32>
      %add3A_634 = arith.addi %sub3A_631, %add3A_633 : vector<16xi32>
      %convert_element_type3A_635 = arith.sitofp %add3A_634 : vector<16xi32> to vector<16xf32>
      %ne3A_636 = arith.cmpi ne, %get3A_609, %gather3A_615 : vector<16xi32>
      %eq3A_637 = arith.constant 15 : i32
      %eq3A_638 = vector.broadcast %eq3A_637 : i32 to vector<16xi32>
      %eq3A_639 = arith.cmpi eq, %iota3A, %eq3A_638 : vector<16xi32>
      %or3A_640 = arith.ori %ne3A_636, %eq3A_639 : vector<16xi1>
      %shift_right_arithmetic3A_641 = arith.constant 7 : i32
      %shift_right_arithmetic3A_642 = vector.broadcast %shift_right_arithmetic3A_641 : i32 to vector<16xi32>
      %shift_right_arithmetic3A_643 = arith.shrsi %get3A_609, %shift_right_arithmetic3A_642 : vector<16xi32>
      %and3A_644 = arith.constant 127 : i32
      %and3A_645 = vector.broadcast %and3A_644 : i32 to vector<16xi32>
      %and3A_646 = arith.andi %get3A_609, %and3A_645 : vector<16xi32>
      tpu.vector_store_idx %arg12[%shift_right_arithmetic3A_643, %and3A_646], %convert_element_type3A_635 masked %or3A_640 {add = true} : memref<80x128xf32, #tpu.memory_space<vmem>>[vector<16xi32>, vector<16xi32>], vector<16xf32>, vector<16xi1>
      %get3A_647 = arith.constant 64 : index
      %get3A_648 = tpu.vector_load %arg11[%get3A_647] {strides = array<i32>} : memref<80xi32, #tpu.memory_space<vmem>>, vector<16xi32>,
      %broadcast_in_dim3A_649 = vector.shape_cast %max3A_10 : vector<16xi32> to vector<16x1xi32>
      %gather3A_650 = vector.shape_cast %broadcast_in_dim3A_649 : vector<16x1xi32> to vector<16xi32>
      %gather3A_651 = tpu.dynamic_gather %get3A_648[%gather3A_650] in [0] : vector<16xi32>, vector<16xi32> -> vector<16xi32>
      %broadcast_in_dim3A_652 = vector.shape_cast %min3A_15 : vector<16xi32> to vector<16x1xi32>
      %gather3A_653 = vector.shape_cast %broadcast_in_dim3A_652 : vector<16x1xi32> to vector<16xi32>
      %gather3A_654 = tpu.dynamic_gather %get3A_648[%gather3A_653] in [0] : vector<16xi32>, vector<16xi32> -> vector<16xi32>
      %ne3A_655 = arith.cmpi ne, %get3A_648, %gather3A_651 : vector<16xi32>
      %eq3A_656 = arith.constant 0 : i32
      %eq3A_657 = vector.broadcast %eq3A_656 : i32 to vector<16xi32>
      %eq3A_658 = arith.cmpi eq, %iota3A, %eq3A_657 : vector<16xi32>
      %or3A_659 = arith.ori %ne3A_655, %eq3A_658 : vector<16xi1>
      %jit3A_660 = arith.constant 0 : i32
      %broadcast_in_dim3A_661 = vector.broadcast %jit3A_660 : i32 to vector<16xi32>
      %select_n3A_662 = arith.select %or3A_659, %iota3A, %broadcast_in_dim3A_661 : vector<16xi1>, vector<16xi32>
      %broadcast_in_dim3A_663 = arith.constant true
      %broadcast_in_dim3A_664 = vector.broadcast %broadcast_in_dim3A_663 : i1 to vector<16xi1>
      %masked_cummax3A_665 = arith.constant -2147483648 : i32
      %masked_cummax3A_666 = vector.broadcast %masked_cummax3A_665 : i32 to vector<16xi32>
      %masked_cummax3A_667 = arith.xori %select_n3A_662, %masked_cummax3A_666 : vector<16xi32>
      %masked_cummax3A_668 = tpu.scan <max>, %masked_cummax3A_667 masked %broadcast_in_dim3A_664 : vector<16xi32>, vector<16xi1> -> vector<16xi32>
      %masked_cummax3A_669 = arith.xori %masked_cummax3A_668, %masked_cummax3A_666 : vector<16xi32>
      %sub3A_670 = arith.subi %iota3A, %masked_cummax3A_669 : vector<16xi32>
      %add3A_671 = arith.constant 1 : i32
      %add3A_672 = vector.broadcast %add3A_671 : i32 to vector<16xi32>
      %add3A_673 = arith.addi %sub3A_670, %add3A_672 : vector<16xi32>
      %convert_element_type3A_674 = arith.sitofp %add3A_673 : vector<16xi32> to vector<16xf32>
      %ne3A_675 = arith.cmpi ne, %get3A_648, %gather3A_654 : vector<16xi32>
      %eq3A_676 = arith.constant 15 : i32
      %eq3A_677 = vector.broadcast %eq3A_676 : i32 to vector<16xi32>
      %eq3A_678 = arith.cmpi eq, %iota3A, %eq3A_677 : vector<16xi32>
      %or3A_679 = arith.ori %ne3A_675, %eq3A_678 : vector<16xi1>
      %shift_right_arithmetic3A_680 = arith.constant 7 : i32
      %shift_right_arithmetic3A_681 = vector.broadcast %shift_right_arithmetic3A_680 : i32 to vector<16xi32>
      %shift_right_arithmetic3A_682 = arith.shrsi %get3A_648, %shift_right_arithmetic3A_681 : vector<16xi32>
      %and3A_683 = arith.constant 127 : i32
      %and3A_684 = vector.broadcast %and3A_683 : i32 to vector<16xi32>
      %and3A_685 = arith.andi %get3A_648, %and3A_684 : vector<16xi32>
      tpu.vector_store_idx %arg12[%shift_right_arithmetic3A_682, %and3A_685], %convert_element_type3A_674 masked %or3A_679 {add = true} : memref<80x128xf32, #tpu.memory_space<vmem>>[vector<16xi32>, vector<16xi32>], vector<16xf32>, vector<16xi1>
      %dma_wait3A_686 = arith.constant 0 : i32
      %dma_wait3A_687 = arith.constant 0 : i32
      %dma_wait3A_688 = tpu.memref_slice %arg14[%dma_wait3A_686, %dma_wait3A_687] : memref<10240x128xf32, #tpu.memory_space<vmem_shared>> -> memref<10240x128xf32, #tpu.memory_space<vmem_shared>>
      tpu.wait_indirect_dma semaphore(%arg20 : memref<!tpu.dma_semaphore, #tpu.memory_space<semaphore_mem>>) src(%arg9 : memref<80x128xf32, #tpu.memory_space<vmem>>) dst(%dma_wait3A_688 : memref<10240x128xf32, #tpu.memory_space<vmem_shared>>)
      %add3A_689 = arith.constant 3 : i32
      %add3A_690 = arith.addi %mul3A_255, %add3A_689 : i32
      %lt3A = arith.constant 125 : i32
      %lt3A_691 = arith.cmpi slt, %add3A_690, %lt3A : i32
      %convert_element_type3A_692 = arith.extui %lt3A_691 : i1 to i32
      %cond3A_693 = arith.constant 0 : i32
      %cond3A_694 = arith.cmpi ne, %convert_element_type3A_692, %cond3A_693 : i32
      scf.if %cond3A_694 {
        %add3A_695 = arith.constant 3 : i32
        %add3A_696 = arith.addi %mul3A_255, %add3A_695 : i32
        %mul3A_697 = arith.constant 80 : i32
        %mul3A_698 = arith.muli %add3A_696, %mul3A_697 : i32
        %add3A_699 = arith.addi %mul3A_6, %mul3A_698 : i32
        %dma_start3A_700 = arith.constant 0 : i32
        %dma_start3A_701 = tpu.memref_slice %arg2[%add3A_699, %dma_start3A_700] : memref<320000x128xf32, #tpu.memory_space<hbm>> -> memref<80x128xf32, #tpu.memory_space<hbm>>
        %dma_start3A_702 = arith.constant 0 : i32
        %dma_start3A_703 = tpu.memref_slice %arg2[%add3A_699, %dma_start3A_702] : memref<320000x128xf32, #tpu.memory_space<hbm>> -> memref<80x128xf32, #tpu.memory_space<hbm>>
        tpu.enqueue_dma source(%dma_start3A_703 : memref<80x128xf32, #tpu.memory_space<hbm>>) target(%arg9 : memref<80x128xf32, #tpu.memory_space<vmem>>) target_semaphore(%arg17 : memref<!tpu.dma_semaphore, #tpu.memory_space<semaphore_mem>>)
        %dma_start3A_704 = tpu.memref_slice %arg3[%add3A_699] : memref<320000xi32, #tpu.memory_space<hbm>> -> memref<80xi32, #tpu.memory_space<hbm>>
        %dma_start3A_705 = tpu.memref_slice %arg3[%add3A_699] : memref<320000xi32, #tpu.memory_space<hbm>> -> memref<80xi32, #tpu.memory_space<hbm>>
        tpu.enqueue_dma source(%dma_start3A_705 : memref<80xi32, #tpu.memory_space<hbm>>) target(%arg11 : memref<80xi32, #tpu.memory_space<vmem>>) target_semaphore(%arg19 : memref<!tpu.dma_semaphore, #tpu.memory_space<semaphore_mem>>)
      } else {
      }
    }
    %scan3A_34 = arith.constant 62 : i32
    %dma_wait3A = arith.constant 0 : i32
    %dma_wait3A_35 = arith.constant 0 : i32
    %dma_wait3A_36 = tpu.memref_slice %arg2[%dma_wait3A, %dma_wait3A_35] : memref<320000x128xf32, #tpu.memory_space<hbm>> -> memref<80x128xf32, #tpu.memory_space<hbm>>
    %dma_wait3A_37 = arith.constant 0 : i32
    %dma_wait3A_38 = arith.constant 0 : i32
    %dma_wait3A_39 = tpu.memref_slice %arg2[%dma_wait3A_37, %dma_wait3A_38] : memref<320000x128xf32, #tpu.memory_space<hbm>> -> memref<80x128xf32, #tpu.memory_space<hbm>>
    tpu.wait_dma2 semaphore(%arg16 : memref<!tpu.dma_semaphore, #tpu.memory_space<semaphore_mem>>) src(%dma_wait3A_39 : memref<80x128xf32, #tpu.memory_space<hbm>>) dst(%arg8 : memref<80x128xf32, #tpu.memory_space<vmem>>)
    %dma_wait3A_40 = arith.constant 0 : i32
    %dma_wait3A_41 = tpu.memref_slice %arg3[%dma_wait3A_40] : memref<320000xi32, #tpu.memory_space<hbm>> -> memref<80xi32, #tpu.memory_space<hbm>>
    %dma_wait3A_42 = arith.constant 0 : i32
    %dma_wait3A_43 = tpu.memref_slice %arg3[%dma_wait3A_42] : memref<320000xi32, #tpu.memory_space<hbm>> -> memref<80xi32, #tpu.memory_space<hbm>>
    tpu.wait_dma2 semaphore(%arg18 : memref<!tpu.dma_semaphore, #tpu.memory_space<semaphore_mem>>) src(%dma_wait3A_43 : memref<80xi32, #tpu.memory_space<hbm>>) dst(%arg10 : memref<80xi32, #tpu.memory_space<vmem>>)
    %dma_start3A_44 = arith.constant 0 : i32
    %dma_start3A_45 = arith.constant 0 : i32
    %dma_start3A_46 = tpu.memref_slice %arg14[%dma_start3A_44, %dma_start3A_45] : memref<10240x128xf32, #tpu.memory_space<vmem_shared>> -> memref<10240x128xf32, #tpu.memory_space<vmem_shared>>
    tpu.enqueue_indirect_dma source(%arg8 : memref<80x128xf32, #tpu.memory_space<vmem>>) target(%dma_start3A_46 : memref<10240x128xf32, #tpu.memory_space<vmem_shared>>) offsets(%arg10 : memref<80xi32, #tpu.memory_space<vmem>>) semaphore(%arg20 : memref<!tpu.dma_semaphore, #tpu.memory_space<semaphore_mem>>) {add = true}
    %get3A = arith.constant 0 : index
    %get3A_47 = tpu.vector_load %arg10[%get3A] {strides = array<i32>} : memref<80xi32, #tpu.memory_space<vmem>>, vector<16xi32>,
    %broadcast_in_dim3A = vector.shape_cast %max3A_10 : vector<16xi32> to vector<16x1xi32>
    %gather3A = vector.shape_cast %broadcast_in_dim3A : vector<16x1xi32> to vector<16xi32>
    %gather3A_48 = tpu.dynamic_gather %get3A_47[%gather3A] in [0] : vector<16xi32>, vector<16xi32> -> vector<16xi32>
    %broadcast_in_dim3A_49 = vector.shape_cast %min3A_15 : vector<16xi32> to vector<16x1xi32>
    %gather3A_50 = vector.shape_cast %broadcast_in_dim3A_49 : vector<16x1xi32> to vector<16xi32>
    %gather3A_51 = tpu.dynamic_gather %get3A_47[%gather3A_50] in [0] : vector<16xi32>, vector<16xi32> -> vector<16xi32>
    %ne3A = arith.cmpi ne, %get3A_47, %gather3A_48 : vector<16xi32>
    %eq3A_52 = arith.constant 0 : i32
    %eq3A_53 = vector.broadcast %eq3A_52 : i32 to vector<16xi32>
    %eq3A_54 = arith.cmpi eq, %iota3A, %eq3A_53 : vector<16xi32>
    %or3A = arith.ori %ne3A, %eq3A_54 : vector<16xi1>
    %jit3A = arith.constant 0 : i32
    %broadcast_in_dim3A_55 = vector.broadcast %jit3A : i32 to vector<16xi32>
    %select_n3A = arith.select %or3A, %iota3A, %broadcast_in_dim3A_55 : vector<16xi1>, vector<16xi32>
    %broadcast_in_dim3A_56 = arith.constant true
    %broadcast_in_dim3A_57 = vector.broadcast %broadcast_in_dim3A_56 : i1 to vector<16xi1>
    %masked_cummax3A = arith.constant -2147483648 : i32
    %masked_cummax3A_58 = vector.broadcast %masked_cummax3A : i32 to vector<16xi32>
    %masked_cummax3A_59 = arith.xori %select_n3A, %masked_cummax3A_58 : vector<16xi32>
    %masked_cummax3A_60 = tpu.scan <max>, %masked_cummax3A_59 masked %broadcast_in_dim3A_57 : vector<16xi32>, vector<16xi1> -> vector<16xi32>
    %masked_cummax3A_61 = arith.xori %masked_cummax3A_60, %masked_cummax3A_58 : vector<16xi32>
    %sub3A_62 = arith.subi %iota3A, %masked_cummax3A_61 : vector<16xi32>
    %add3A_63 = arith.constant 1 : i32
    %add3A_64 = vector.broadcast %add3A_63 : i32 to vector<16xi32>
    %add3A_65 = arith.addi %sub3A_62, %add3A_64 : vector<16xi32>
    %convert_element_type3A_66 = arith.sitofp %add3A_65 : vector<16xi32> to vector<16xf32>
    %ne3A_67 = arith.cmpi ne, %get3A_47, %gather3A_51 : vector<16xi32>
    %eq3A_68 = arith.constant 15 : i32
    %eq3A_69 = vector.broadcast %eq3A_68 : i32 to vector<16xi32>
    %eq3A_70 = arith.cmpi eq, %iota3A, %eq3A_69 : vector<16xi32>
    %or3A_71 = arith.ori %ne3A_67, %eq3A_70 : vector<16xi1>
    %shift_right_arithmetic3A = arith.constant 7 : i32
    %shift_right_arithmetic3A_72 = vector.broadcast %shift_right_arithmetic3A : i32 to vector<16xi32>
    %shift_right_arithmetic3A_73 = arith.shrsi %get3A_47, %shift_right_arithmetic3A_72 : vector<16xi32>
    %and3A = arith.constant 127 : i32
    %and3A_74 = vector.broadcast %and3A : i32 to vector<16xi32>
    %and3A_75 = arith.andi %get3A_47, %and3A_74 : vector<16xi32>
    tpu.vector_store_idx %arg12[%shift_right_arithmetic3A_73, %and3A_75], %convert_element_type3A_66 masked %or3A_71 {add = true} : memref<80x128xf32, #tpu.memory_space<vmem>>[vector<16xi32>, vector<16xi32>], vector<16xf32>, vector<16xi1>
    %get3A_76 = arith.constant 16 : index
    %get3A_77 = tpu.vector_load %arg10[%get3A_76] {strides = array<i32>} : memref<80xi32, #tpu.memory_space<vmem>>, vector<16xi32>,
    %broadcast_in_dim3A_78 = vector.shape_cast %max3A_10 : vector<16xi32> to vector<16x1xi32>
    %gather3A_79 = vector.shape_cast %broadcast_in_dim3A_78 : vector<16x1xi32> to vector<16xi32>
    %gather3A_80 = tpu.dynamic_gather %get3A_77[%gather3A_79] in [0] : vector<16xi32>, vector<16xi32> -> vector<16xi32>
    %broadcast_in_dim3A_81 = vector.shape_cast %min3A_15 : vector<16xi32> to vector<16x1xi32>
    %gather3A_82 = vector.shape_cast %broadcast_in_dim3A_81 : vector<16x1xi32> to vector<16xi32>
    %gather3A_83 = tpu.dynamic_gather %get3A_77[%gather3A_82] in [0] : vector<16xi32>, vector<16xi32> -> vector<16xi32>
    %ne3A_84 = arith.cmpi ne, %get3A_77, %gather3A_80 : vector<16xi32>
    %eq3A_85 = arith.constant 0 : i32
    %eq3A_86 = vector.broadcast %eq3A_85 : i32 to vector<16xi32>
    %eq3A_87 = arith.cmpi eq, %iota3A, %eq3A_86 : vector<16xi32>
    %or3A_88 = arith.ori %ne3A_84, %eq3A_87 : vector<16xi1>
    %jit3A_89 = arith.constant 0 : i32
    %broadcast_in_dim3A_90 = vector.broadcast %jit3A_89 : i32 to vector<16xi32>
    %select_n3A_91 = arith.select %or3A_88, %iota3A, %broadcast_in_dim3A_90 : vector<16xi1>, vector<16xi32>
    %broadcast_in_dim3A_92 = arith.constant true
    %broadcast_in_dim3A_93 = vector.broadcast %broadcast_in_dim3A_92 : i1 to vector<16xi1>
    %masked_cummax3A_94 = arith.constant -2147483648 : i32
    %masked_cummax3A_95 = vector.broadcast %masked_cummax3A_94 : i32 to vector<16xi32>
    %masked_cummax3A_96 = arith.xori %select_n3A_91, %masked_cummax3A_95 : vector<16xi32>
    %masked_cummax3A_97 = tpu.scan <max>, %masked_cummax3A_96 masked %broadcast_in_dim3A_93 : vector<16xi32>, vector<16xi1> -> vector<16xi32>
    %masked_cummax3A_98 = arith.xori %masked_cummax3A_97, %masked_cummax3A_95 : vector<16xi32>
    %sub3A_99 = arith.subi %iota3A, %masked_cummax3A_98 : vector<16xi32>
    %add3A_100 = arith.constant 1 : i32
    %add3A_101 = vector.broadcast %add3A_100 : i32 to vector<16xi32>
    %add3A_102 = arith.addi %sub3A_99, %add3A_101 : vector<16xi32>
    %convert_element_type3A_103 = arith.sitofp %add3A_102 : vector<16xi32> to vector<16xf32>
    %ne3A_104 = arith.cmpi ne, %get3A_77, %gather3A_83 : vector<16xi32>
    %eq3A_105 = arith.constant 15 : i32
    %eq3A_106 = vector.broadcast %eq3A_105 : i32 to vector<16xi32>
    %eq3A_107 = arith.cmpi eq, %iota3A, %eq3A_106 : vector<16xi32>
    %or3A_108 = arith.ori %ne3A_104, %eq3A_107 : vector<16xi1>
    %shift_right_arithmetic3A_109 = arith.constant 7 : i32
    %shift_right_arithmetic3A_110 = vector.broadcast %shift_right_arithmetic3A_109 : i32 to vector<16xi32>
    %shift_right_arithmetic3A_111 = arith.shrsi %get3A_77, %shift_right_arithmetic3A_110 : vector<16xi32>
    %and3A_112 = arith.constant 127 : i32
    %and3A_113 = vector.broadcast %and3A_112 : i32 to vector<16xi32>
    %and3A_114 = arith.andi %get3A_77, %and3A_113 : vector<16xi32>
    tpu.vector_store_idx %arg12[%shift_right_arithmetic3A_111, %and3A_114], %convert_element_type3A_103 masked %or3A_108 {add = true} : memref<80x128xf32, #tpu.memory_space<vmem>>[vector<16xi32>, vector<16xi32>], vector<16xf32>, vector<16xi1>
    %get3A_115 = arith.constant 32 : index
    %get3A_116 = tpu.vector_load %arg10[%get3A_115] {strides = array<i32>} : memref<80xi32, #tpu.memory_space<vmem>>, vector<16xi32>,
    %broadcast_in_dim3A_117 = vector.shape_cast %max3A_10 : vector<16xi32> to vector<16x1xi32>
    %gather3A_118 = vector.shape_cast %broadcast_in_dim3A_117 : vector<16x1xi32> to vector<16xi32>
    %gather3A_119 = tpu.dynamic_gather %get3A_116[%gather3A_118] in [0] : vector<16xi32>, vector<16xi32> -> vector<16xi32>
    %broadcast_in_dim3A_120 = vector.shape_cast %min3A_15 : vector<16xi32> to vector<16x1xi32>
    %gather3A_121 = vector.shape_cast %broadcast_in_dim3A_120 : vector<16x1xi32> to vector<16xi32>
    %gather3A_122 = tpu.dynamic_gather %get3A_116[%gather3A_121] in [0] : vector<16xi32>, vector<16xi32> -> vector<16xi32>
    %ne3A_123 = arith.cmpi ne, %get3A_116, %gather3A_119 : vector<16xi32>
    %eq3A_124 = arith.constant 0 : i32
    %eq3A_125 = vector.broadcast %eq3A_124 : i32 to vector<16xi32>
    %eq3A_126 = arith.cmpi eq, %iota3A, %eq3A_125 : vector<16xi32>
    %or3A_127 = arith.ori %ne3A_123, %eq3A_126 : vector<16xi1>
    %jit3A_128 = arith.constant 0 : i32
    %broadcast_in_dim3A_129 = vector.broadcast %jit3A_128 : i32 to vector<16xi32>
    %select_n3A_130 = arith.select %or3A_127, %iota3A, %broadcast_in_dim3A_129 : vector<16xi1>, vector<16xi32>
    %broadcast_in_dim3A_131 = arith.constant true
    %broadcast_in_dim3A_132 = vector.broadcast %broadcast_in_dim3A_131 : i1 to vector<16xi1>
    %masked_cummax3A_133 = arith.constant -2147483648 : i32
    %masked_cummax3A_134 = vector.broadcast %masked_cummax3A_133 : i32 to vector<16xi32>
    %masked_cummax3A_135 = arith.xori %select_n3A_130, %masked_cummax3A_134 : vector<16xi32>
    %masked_cummax3A_136 = tpu.scan <max>, %masked_cummax3A_135 masked %broadcast_in_dim3A_132 : vector<16xi32>, vector<16xi1> -> vector<16xi32>
    %masked_cummax3A_137 = arith.xori %masked_cummax3A_136, %masked_cummax3A_134 : vector<16xi32>
    %sub3A_138 = arith.subi %iota3A, %masked_cummax3A_137 : vector<16xi32>
    %add3A_139 = arith.constant 1 : i32
    %add3A_140 = vector.broadcast %add3A_139 : i32 to vector<16xi32>
    %add3A_141 = arith.addi %sub3A_138, %add3A_140 : vector<16xi32>
    %convert_element_type3A_142 = arith.sitofp %add3A_141 : vector<16xi32> to vector<16xf32>
    %ne3A_143 = arith.cmpi ne, %get3A_116, %gather3A_122 : vector<16xi32>
    %eq3A_144 = arith.constant 15 : i32
    %eq3A_145 = vector.broadcast %eq3A_144 : i32 to vector<16xi32>
    %eq3A_146 = arith.cmpi eq, %iota3A, %eq3A_145 : vector<16xi32>
    %or3A_147 = arith.ori %ne3A_143, %eq3A_146 : vector<16xi1>
    %shift_right_arithmetic3A_148 = arith.constant 7 : i32
    %shift_right_arithmetic3A_149 = vector.broadcast %shift_right_arithmetic3A_148 : i32 to vector<16xi32>
    %shift_right_arithmetic3A_150 = arith.shrsi %get3A_116, %shift_right_arithmetic3A_149 : vector<16xi32>
    %and3A_151 = arith.constant 127 : i32
    %and3A_152 = vector.broadcast %and3A_151 : i32 to vector<16xi32>
    %and3A_153 = arith.andi %get3A_116, %and3A_152 : vector<16xi32>
    tpu.vector_store_idx %arg12[%shift_right_arithmetic3A_150, %and3A_153], %convert_element_type3A_142 masked %or3A_147 {add = true} : memref<80x128xf32, #tpu.memory_space<vmem>>[vector<16xi32>, vector<16xi32>], vector<16xf32>, vector<16xi1>
    %get3A_154 = arith.constant 48 : index
    %get3A_155 = tpu.vector_load %arg10[%get3A_154] {strides = array<i32>} : memref<80xi32, #tpu.memory_space<vmem>>, vector<16xi32>,
    %broadcast_in_dim3A_156 = vector.shape_cast %max3A_10 : vector<16xi32> to vector<16x1xi32>
    %gather3A_157 = vector.shape_cast %broadcast_in_dim3A_156 : vector<16x1xi32> to vector<16xi32>
    %gather3A_158 = tpu.dynamic_gather %get3A_155[%gather3A_157] in [0] : vector<16xi32>, vector<16xi32> -> vector<16xi32>
    %broadcast_in_dim3A_159 = vector.shape_cast %min3A_15 : vector<16xi32> to vector<16x1xi32>
    %gather3A_160 = vector.shape_cast %broadcast_in_dim3A_159 : vector<16x1xi32> to vector<16xi32>
    %gather3A_161 = tpu.dynamic_gather %get3A_155[%gather3A_160] in [0] : vector<16xi32>, vector<16xi32> -> vector<16xi32>
    %ne3A_162 = arith.cmpi ne, %get3A_155, %gather3A_158 : vector<16xi32>
    %eq3A_163 = arith.constant 0 : i32
    %eq3A_164 = vector.broadcast %eq3A_163 : i32 to vector<16xi32>
    %eq3A_165 = arith.cmpi eq, %iota3A, %eq3A_164 : vector<16xi32>
    %or3A_166 = arith.ori %ne3A_162, %eq3A_165 : vector<16xi1>
    %jit3A_167 = arith.constant 0 : i32
    %broadcast_in_dim3A_168 = vector.broadcast %jit3A_167 : i32 to vector<16xi32>
    %select_n3A_169 = arith.select %or3A_166, %iota3A, %broadcast_in_dim3A_168 : vector<16xi1>, vector<16xi32>
    %broadcast_in_dim3A_170 = arith.constant true
    %broadcast_in_dim3A_171 = vector.broadcast %broadcast_in_dim3A_170 : i1 to vector<16xi1>
    %masked_cummax3A_172 = arith.constant -2147483648 : i32
    %masked_cummax3A_173 = vector.broadcast %masked_cummax3A_172 : i32 to vector<16xi32>
    %masked_cummax3A_174 = arith.xori %select_n3A_169, %masked_cummax3A_173 : vector<16xi32>
    %masked_cummax3A_175 = tpu.scan <max>, %masked_cummax3A_174 masked %broadcast_in_dim3A_171 : vector<16xi32>, vector<16xi1> -> vector<16xi32>
    %masked_cummax3A_176 = arith.xori %masked_cummax3A_175, %masked_cummax3A_173 : vector<16xi32>
    %sub3A_177 = arith.subi %iota3A, %masked_cummax3A_176 : vector<16xi32>
    %add3A_178 = arith.constant 1 : i32
    %add3A_179 = vector.broadcast %add3A_178 : i32 to vector<16xi32>
    %add3A_180 = arith.addi %sub3A_177, %add3A_179 : vector<16xi32>
    %convert_element_type3A_181 = arith.sitofp %add3A_180 : vector<16xi32> to vector<16xf32>
    %ne3A_182 = arith.cmpi ne, %get3A_155, %gather3A_161 : vector<16xi32>
    %eq3A_183 = arith.constant 15 : i32
    %eq3A_184 = vector.broadcast %eq3A_183 : i32 to vector<16xi32>
    %eq3A_185 = arith.cmpi eq, %iota3A, %eq3A_184 : vector<16xi32>
    %or3A_186 = arith.ori %ne3A_182, %eq3A_185 : vector<16xi1>
    %shift_right_arithmetic3A_187 = arith.constant 7 : i32
    %shift_right_arithmetic3A_188 = vector.broadcast %shift_right_arithmetic3A_187 : i32 to vector<16xi32>
    %shift_right_arithmetic3A_189 = arith.shrsi %get3A_155, %shift_right_arithmetic3A_188 : vector<16xi32>
    %and3A_190 = arith.constant 127 : i32
    %and3A_191 = vector.broadcast %and3A_190 : i32 to vector<16xi32>
    %and3A_192 = arith.andi %get3A_155, %and3A_191 : vector<16xi32>
    tpu.vector_store_idx %arg12[%shift_right_arithmetic3A_189, %and3A_192], %convert_element_type3A_181 masked %or3A_186 {add = true} : memref<80x128xf32, #tpu.memory_space<vmem>>[vector<16xi32>, vector<16xi32>], vector<16xf32>, vector<16xi1>
    %get3A_193 = arith.constant 64 : index
    %get3A_194 = tpu.vector_load %arg10[%get3A_193] {strides = array<i32>} : memref<80xi32, #tpu.memory_space<vmem>>, vector<16xi32>,
    %broadcast_in_dim3A_195 = vector.shape_cast %max3A_10 : vector<16xi32> to vector<16x1xi32>
    %gather3A_196 = vector.shape_cast %broadcast_in_dim3A_195 : vector<16x1xi32> to vector<16xi32>
    %gather3A_197 = tpu.dynamic_gather %get3A_194[%gather3A_196] in [0] : vector<16xi32>, vector<16xi32> -> vector<16xi32>
    %broadcast_in_dim3A_198 = vector.shape_cast %min3A_15 : vector<16xi32> to vector<16x1xi32>
    %gather3A_199 = vector.shape_cast %broadcast_in_dim3A_198 : vector<16x1xi32> to vector<16xi32>
    %gather3A_200 = tpu.dynamic_gather %get3A_194[%gather3A_199] in [0] : vector<16xi32>, vector<16xi32> -> vector<16xi32>
    %ne3A_201 = arith.cmpi ne, %get3A_194, %gather3A_197 : vector<16xi32>
    %eq3A_202 = arith.constant 0 : i32
    %eq3A_203 = vector.broadcast %eq3A_202 : i32 to vector<16xi32>
    %eq3A_204 = arith.cmpi eq, %iota3A, %eq3A_203 : vector<16xi32>
    %or3A_205 = arith.ori %ne3A_201, %eq3A_204 : vector<16xi1>
    %jit3A_206 = arith.constant 0 : i32
    %broadcast_in_dim3A_207 = vector.broadcast %jit3A_206 : i32 to vector<16xi32>
    %select_n3A_208 = arith.select %or3A_205, %iota3A, %broadcast_in_dim3A_207 : vector<16xi1>, vector<16xi32>
    %broadcast_in_dim3A_209 = arith.constant true
    %broadcast_in_dim3A_210 = vector.broadcast %broadcast_in_dim3A_209 : i1 to vector<16xi1>
    %masked_cummax3A_211 = arith.constant -2147483648 : i32
    %masked_cummax3A_212 = vector.broadcast %masked_cummax3A_211 : i32 to vector<16xi32>
    %masked_cummax3A_213 = arith.xori %select_n3A_208, %masked_cummax3A_212 : vector<16xi32>
    %masked_cummax3A_214 = tpu.scan <max>, %masked_cummax3A_213 masked %broadcast_in_dim3A_210 : vector<16xi32>, vector<16xi1> -> vector<16xi32>
    %masked_cummax3A_215 = arith.xori %masked_cummax3A_214, %masked_cummax3A_212 : vector<16xi32>
    %sub3A_216 = arith.subi %iota3A, %masked_cummax3A_215 : vector<16xi32>
    %add3A_217 = arith.constant 1 : i32
    %add3A_218 = vector.broadcast %add3A_217 : i32 to vector<16xi32>
    %add3A_219 = arith.addi %sub3A_216, %add3A_218 : vector<16xi32>
    %convert_element_type3A_220 = arith.sitofp %add3A_219 : vector<16xi32> to vector<16xf32>
    %ne3A_221 = arith.cmpi ne, %get3A_194, %gather3A_200 : vector<16xi32>
    %eq3A_222 = arith.constant 15 : i32
    %eq3A_223 = vector.broadcast %eq3A_222 : i32 to vector<16xi32>
    %eq3A_224 = arith.cmpi eq, %iota3A, %eq3A_223 : vector<16xi32>
    %or3A_225 = arith.ori %ne3A_221, %eq3A_224 : vector<16xi1>
    %shift_right_arithmetic3A_226 = arith.constant 7 : i32
    %shift_right_arithmetic3A_227 = vector.broadcast %shift_right_arithmetic3A_226 : i32 to vector<16xi32>
    %shift_right_arithmetic3A_228 = arith.shrsi %get3A_194, %shift_right_arithmetic3A_227 : vector<16xi32>
    %and3A_229 = arith.constant 127 : i32
    %and3A_230 = vector.broadcast %and3A_229 : i32 to vector<16xi32>
    %and3A_231 = arith.andi %get3A_194, %and3A_230 : vector<16xi32>
    tpu.vector_store_idx %arg12[%shift_right_arithmetic3A_228, %and3A_231], %convert_element_type3A_220 masked %or3A_225 {add = true} : memref<80x128xf32, #tpu.memory_space<vmem>>[vector<16xi32>, vector<16xi32>], vector<16xf32>, vector<16xi1>
    %dma_wait3A_232 = arith.constant 0 : i32
    %dma_wait3A_233 = arith.constant 0 : i32
    %dma_wait3A_234 = tpu.memref_slice %arg14[%dma_wait3A_232, %dma_wait3A_233] : memref<10240x128xf32, #tpu.memory_space<vmem_shared>> -> memref<10240x128xf32, #tpu.memory_space<vmem_shared>>
    tpu.wait_indirect_dma semaphore(%arg20 : memref<!tpu.dma_semaphore, #tpu.memory_space<semaphore_mem>>) src(%arg8 : memref<80x128xf32, #tpu.memory_space<vmem>>) dst(%dma_wait3A_234 : memref<10240x128xf32, #tpu.memory_space<vmem_shared>>)
    %barrier3A_235 = arith.constant 0 : index
    tpu.barrier barrier_id(%barrier3A_235)
    "tpu.region"() ({
      %run_scoped3A = tpu.sem_alloc : memref<!tpu.dma_semaphore, #tpu.memory_space<semaphore_mem>>
      %dma_start3A_249 = arith.constant 0 : i32
      %dma_start3A_250 = arith.constant 0 : i32
      %dma_start3A_251 = tpu.memref_slice %arg15[%dma_start3A_249, %dma_start3A_250] : memref<80x128xf32, #tpu.memory_space<vmem_shared>> -> memref<80x128xf32, #tpu.memory_space<vmem_shared>>
      tpu.enqueue_indirect_dma source(%arg12 : memref<80x128xf32, #tpu.memory_space<vmem>>) target(%dma_start3A_251 : memref<80x128xf32, #tpu.memory_space<vmem_shared>>) offsets(%arg13 : memref<80xi32, #tpu.memory_space<vmem>>) semaphore(%run_scoped3A : memref<!tpu.dma_semaphore, #tpu.memory_space<semaphore_mem>>) {add = true}
      %dma_wait3A_252 = arith.constant 0 : i32
      %dma_wait3A_253 = arith.constant 0 : i32
      %dma_wait3A_254 = tpu.memref_slice %arg15[%dma_wait3A_252, %dma_wait3A_253] : memref<80x128xf32, #tpu.memory_space<vmem_shared>> -> memref<80x128xf32, #tpu.memory_space<vmem_shared>>
      tpu.wait_indirect_dma semaphore(%run_scoped3A : memref<!tpu.dma_semaphore, #tpu.memory_space<semaphore_mem>>) src(%arg12 : memref<80x128xf32, #tpu.memory_space<vmem>>) dst(%dma_wait3A_254 : memref<80x128xf32, #tpu.memory_space<vmem_shared>>)
      tpu.yield
    }) : () -> ()
    %barrier3A_236 = arith.constant 0 : index
    tpu.barrier barrier_id(%barrier3A_236)
    %mul3A_237 = arith.constant 10240 : i32
    %mul3A_238 = arith.muli %arg0, %mul3A_237 : i32
    %mul3A_239 = arith.constant 640 : i32
    %mul3A_240 = arith.muli %arg1, %mul3A_239 : i32
    %add3A_241 = arith.addi %mul3A_238, %mul3A_240 : i32
    %mul3A_242 = arith.constant 640 : i32
    %mul3A_243 = arith.muli %arg1, %mul3A_242 : i32
    "tpu.region"() ({
      %run_scoped3A = tpu.sem_alloc : memref<!tpu.dma_semaphore, #tpu.memory_space<semaphore_mem>>
      %dma_start3A_249 = arith.constant 0 : i32
      %dma_start3A_250 = tpu.memref_slice %arg6[%add3A_241, %dma_start3A_249] : memref<20480x128xf32, #tpu.memory_space<hbm>> -> memref<640x128xf32, #tpu.memory_space<hbm>>
      %dma_start3A_251 = arith.constant 0 : i32
      %dma_start3A_252 = tpu.memref_slice %arg14[%mul3A_243, %dma_start3A_251] : memref<10240x128xf32, #tpu.memory_space<vmem_shared>> -> memref<640x128xf32, #tpu.memory_space<vmem_shared>>
      tpu.enqueue_dma source(%dma_start3A_252 : memref<640x128xf32, #tpu.memory_space<vmem_shared>>) target(%dma_start3A_250 : memref<640x128xf32, #tpu.memory_space<hbm>>) target_semaphore(%run_scoped3A : memref<!tpu.dma_semaphore, #tpu.memory_space<semaphore_mem>>)
      %dma_wait3A_253 = arith.constant 0 : i32
      %dma_wait3A_254 = tpu.memref_slice %arg6[%add3A_241, %dma_wait3A_253] : memref<20480x128xf32, #tpu.memory_space<hbm>> -> memref<640x128xf32, #tpu.memory_space<hbm>>
      %dma_wait3A_255 = arith.constant 0 : i32
      %dma_wait3A_256 = tpu.memref_slice %arg14[%mul3A_243, %dma_wait3A_255] : memref<10240x128xf32, #tpu.memory_space<vmem_shared>> -> memref<640x128xf32, #tpu.memory_space<vmem_shared>>
      tpu.wait_dma2 semaphore(%run_scoped3A : memref<!tpu.dma_semaphore, #tpu.memory_space<semaphore_mem>>) src(%dma_wait3A_256 : memref<640x128xf32, #tpu.memory_space<vmem_shared>>) dst(%dma_wait3A_254 : memref<640x128xf32, #tpu.memory_space<hbm>>)
      tpu.yield
    }) : () -> ()
    %eq3A_244 = arith.constant 0 : i32
    %eq3A_245 = arith.cmpi eq, %arg1, %eq3A_244 : i32
    %convert_element_type3A_246 = arith.extui %eq3A_245 : i1 to i32
    %cond3A_247 = arith.constant 0 : i32
    %cond3A_248 = arith.cmpi ne, %convert_element_type3A_246, %cond3A_247 : i32
    scf.if %cond3A_248 {
      %mul3A_249 = arith.constant 80 : i32
      %mul3A_250 = arith.muli %arg0, %mul3A_249 : i32
      "tpu.region"() ({
        %run_scoped3A = tpu.sem_alloc : memref<!tpu.dma_semaphore, #tpu.memory_space<semaphore_mem>>
        %dma_start3A_251 = arith.constant 0 : i32
        %dma_start3A_252 = tpu.memref_slice %arg7[%mul3A_250, %dma_start3A_251] : memref<160x128xf32, #tpu.memory_space<hbm>> -> memref<80x128xf32, #tpu.memory_space<hbm>>
        tpu.enqueue_dma source(%arg15 : memref<80x128xf32, #tpu.memory_space<vmem_shared>>) target(%dma_start3A_252 : memref<80x128xf32, #tpu.memory_space<hbm>>) target_semaphore(%run_scoped3A : memref<!tpu.dma_semaphore, #tpu.memory_space<semaphore_mem>>)
        %dma_wait3A_253 = arith.constant 0 : i32
        %dma_wait3A_254 = tpu.memref_slice %arg7[%mul3A_250, %dma_wait3A_253] : memref<160x128xf32, #tpu.memory_space<hbm>> -> memref<80x128xf32, #tpu.memory_space<hbm>>
        tpu.wait_dma2 semaphore(%run_scoped3A : memref<!tpu.dma_semaphore, #tpu.memory_space<semaphore_mem>>) src(%arg15 : memref<80x128xf32, #tpu.memory_space<vmem_shared>>) dst(%dma_wait3A_254 : memref<80x128xf32, #tpu.memory_space<hbm>>)
        tpu.yield
      }) : () -> ()
    } else {
    }
    return
  }
}

module attributes {stable_mosaic.version = 14 : i64} {
  func.func @body(%arg0: i32, %arg1: memref<2x2048x128xf32, #tpu.memory_space<vmem>>, %arg2: memref<2x2048x128xf32, #tpu.memory_space<vmem>>, %arg3: memref<1x128xf32, #tpu.memory_space<vmem>>, %arg4: memref<1x128xf32, #tpu.memory_space<vmem>>, %arg5: memref<1x128xf32, #tpu.memory_space<vmem>>, %arg6: memref<1x128xf32, #tpu.memory_space<vmem>>, %arg7: memref<2048x128xf32, #tpu.memory_space<vmem>>) attributes {dimension_semantics = [#tpu.dimension_semantics<arbitrary>], iteration_bounds = array<i64: 5>, scalar_prefetch = 0 : i64, scratch_operands = 0 : i64, tpu.core_type = #tpu.core_type<tc>, window_params = [{transform_indices = @transform_0, window_bounds = array<i64: 2, 2048, 128>}, {transform_indices = @transform_1, window_bounds = array<i64: 2, 2048, 128>}, {pipeline_mode = #tpu.pipeline_mode<synchronous>, transform_indices = @transform_2, window_bounds = array<i64: 1, 128>}, {pipeline_mode = #tpu.pipeline_mode<synchronous>, transform_indices = @transform_3, window_bounds = array<i64: 1, 128>}, {pipeline_mode = #tpu.pipeline_mode<synchronous>, transform_indices = @transform_4, window_bounds = array<i64: 1, 128>}, {pipeline_mode = #tpu.pipeline_mode<synchronous>, transform_indices = @transform_5, window_bounds = array<i64: 1, 128>}, {transform_indices = @transform_6, window_bounds = array<i64: 2048, 128>}]} {
    %get3A = arith.constant 0 : index
    %get3A_0 = arith.constant 0 : index
    %get3A_1 = vector.load %arg3[%get3A, %get3A_0] : memref<1x128xf32, #tpu.memory_space<vmem>>, vector<1x128xf32>
    %div3A = arith.constant 3.200000e+05 : f32
    %div3A_2 = vector.broadcast %div3A : f32 to vector<1x128xf32>
    %div3A_3 = arith.divf %get3A_1, %div3A_2 : vector<1x128xf32>
    %get3A_4 = arith.constant 0 : index
    %get3A_5 = arith.constant 0 : index
    %get3A_6 = vector.load %arg4[%get3A_4, %get3A_5] : memref<1x128xf32, #tpu.memory_space<vmem>>, vector<1x128xf32>
    %div3A_7 = arith.constant 3.200000e+05 : f32
    %div3A_8 = vector.broadcast %div3A_7 : f32 to vector<1x128xf32>
    %div3A_9 = arith.divf %get3A_6, %div3A_8 : vector<1x128xf32>
    %mul3A = arith.mulf %div3A_3, %div3A_3 : vector<1x128xf32>
    %sub3A = arith.subf %div3A_9, %mul3A : vector<1x128xf32>
    %add3A = arith.constant 9.99999974E-6 : f32
    %add3A_10 = vector.broadcast %add3A : f32 to vector<1x128xf32>
    %add3A_11 = arith.addf %sub3A, %add3A_10 : vector<1x128xf32>
    %rsqrt3A = math.rsqrt %add3A_11 : vector<1x128xf32>
    %get3A_12 = arith.constant 0 : index
    %get3A_13 = arith.constant 0 : index
    %get3A_14 = vector.load %arg5[%get3A_12, %get3A_13] : memref<1x128xf32, #tpu.memory_space<vmem>>, vector<1x128xf32>
    %mul3A_15 = arith.mulf %get3A_14, %rsqrt3A : vector<1x128xf32>
    %get3A_16 = arith.constant 0 : index
    %get3A_17 = arith.constant 0 : index
    %get3A_18 = vector.load %arg6[%get3A_16, %get3A_17] : memref<1x128xf32, #tpu.memory_space<vmem>>, vector<1x128xf32>
    %mul3A_19 = arith.mulf %div3A_3, %mul3A_15 : vector<1x128xf32>
    %sub3A_20 = arith.subf %get3A_18, %mul3A_19 : vector<1x128xf32>
    %get3A_21 = arith.constant 0 : index
    %get3A_22 = arith.constant 0 : index
    %get3A_23 = arith.constant 0 : index
    %get3A_24 = vector.load %arg1[%get3A_21, %get3A_22, %get3A_23] : memref<2x2048x128xf32, #tpu.memory_space<vmem>>, vector<1x2048x128xf32>
    %get3A_25 = vector.shape_cast %get3A_24 : vector<1x2048x128xf32> to vector<2048x128xf32>
    %get3A_26 = arith.constant 1 : index
    %get3A_27 = arith.constant 0 : index
    %get3A_28 = arith.constant 0 : index
    %get3A_29 = vector.load %arg1[%get3A_26, %get3A_27, %get3A_28] : memref<2x2048x128xf32, #tpu.memory_space<vmem>>, vector<1x2048x128xf32>
    %get3A_30 = vector.shape_cast %get3A_29 : vector<1x2048x128xf32> to vector<2048x128xf32>
    %add3A_31 = arith.addf %get3A_25, %get3A_30 : vector<2048x128xf32>
    %get3A_32 = arith.constant 0 : index
    %get3A_33 = arith.constant 0 : index
    %get3A_34 = arith.constant 0 : index
    %get3A_35 = vector.load %arg2[%get3A_32, %get3A_33, %get3A_34] : memref<2x2048x128xf32, #tpu.memory_space<vmem>>, vector<1x2048x1xf32>
    %get3A_36 = vector.shape_cast %get3A_35 : vector<1x2048x1xf32> to vector<2048x1xf32>
    %get3A_37 = arith.constant 1 : index
    %get3A_38 = arith.constant 0 : index
    %get3A_39 = arith.constant 0 : index
    %get3A_40 = vector.load %arg2[%get3A_37, %get3A_38, %get3A_39] : memref<2x2048x128xf32, #tpu.memory_space<vmem>>, vector<1x2048x1xf32>
    %get3A_41 = vector.shape_cast %get3A_40 : vector<1x2048x1xf32> to vector<2048x1xf32>
    %add3A_42 = arith.addf %get3A_36, %get3A_41 : vector<2048x1xf32>
    %gt3A = arith.constant 0.000000e+00 : f32
    %gt3A_43 = vector.broadcast %gt3A : f32 to vector<2048x1xf32>
    %gt3A_44 = arith.cmpf ogt, %add3A_42, %gt3A_43 : vector<2048x1xf32>
    %jit3A = arith.constant 1.000000e+00 : f32
    %broadcast_in_dim3A = vector.broadcast %jit3A : f32 to vector<2048x1xf32>
    %select_n3A = arith.select %gt3A_44, %add3A_42, %broadcast_in_dim3A : vector<2048x1xi1>, vector<2048x1xf32>
    %div3A_45 = vector.broadcast %select_n3A : vector<2048x1xf32> to vector<2048x128xf32>
    %div3A_46 = arith.divf %add3A_31, %div3A_45 : vector<2048x128xf32>
    %mul3A_47 = vector.broadcast %mul3A_15 : vector<1x128xf32> to vector<2048x128xf32>
    %mul3A_48 = arith.mulf %div3A_46, %mul3A_47 : vector<2048x128xf32>
    %add3A_49 = vector.broadcast %sub3A_20 : vector<1x128xf32> to vector<2048x128xf32>
    %add3A_50 = arith.addf %mul3A_48, %add3A_49 : vector<2048x128xf32>
    %jit3A_51 = arith.constant 0.000000e+00 : f32
    %broadcast_in_dim3A_52 = vector.shape_cast %gt3A_44 : vector<2048x1xi1> to vector<2048x1xi1>
    %broadcast_in_dim3A_53 = vector.broadcast %broadcast_in_dim3A_52 : vector<2048x1xi1> to vector<2048x128xi1>
    %broadcast_in_dim3A_54 = vector.broadcast %jit3A_51 : f32 to vector<2048x128xf32>
    %select_n3A_55 = arith.select %broadcast_in_dim3A_53, %add3A_50, %broadcast_in_dim3A_54 : vector<2048x128xi1>, vector<2048x128xf32>
    %swap3A = arith.constant 0 : index
    %swap3A_56 = arith.constant 0 : index
    %swap3A_57 = vector.load %arg7[%swap3A, %swap3A_56] : memref<2048x128xf32, #tpu.memory_space<vmem>>, vector<2048x128xf32>
    tpu.vector_store %arg7[%swap3A, %swap3A_56], %select_n3A_55 {strides = array<i32>} : memref<2048x128xf32, #tpu.memory_space<vmem>>, vector<2048x128xf32>,
    return
  }
  func.func @transform_0(%arg0: i32) -> (i32, i32, i32) {
    %c0_i32 = arith.constant 0 : i32
    %c0_i32_0 = arith.constant 0 : i32
    %c0_i32_1 = arith.constant 0 : i32
    return %c0_i32, %arg0, %c0_i32_0 : i32, i32, i32
  }
  func.func @transform_1(%arg0: i32) -> (i32, i32, i32) {
    %c0_i32 = arith.constant 0 : i32
    %c0_i32_0 = arith.constant 0 : i32
    %c0_i32_1 = arith.constant 0 : i32
    return %c0_i32, %arg0, %c0_i32_0 : i32, i32, i32
  }
  func.func @transform_2(%arg0: i32) -> (i32, i32) {
    %c0_i32 = arith.constant 0 : i32
    %c0_i32_0 = arith.constant 0 : i32
    %c0_i32_1 = arith.constant 0 : i32
    return %c0_i32, %c0_i32_0 : i32, i32
  }
  func.func @transform_3(%arg0: i32) -> (i32, i32) {
    %c0_i32 = arith.constant 0 : i32
    %c0_i32_0 = arith.constant 0 : i32
    %c0_i32_1 = arith.constant 0 : i32
    return %c0_i32, %c0_i32_0 : i32, i32
  }
  func.func @transform_4(%arg0: i32) -> (i32, i32) {
    %c0_i32 = arith.constant 0 : i32
    %c0_i32_0 = arith.constant 0 : i32
    %c0_i32_1 = arith.constant 0 : i32
    return %c0_i32, %c0_i32_0 : i32, i32
  }
  func.func @transform_5(%arg0: i32) -> (i32, i32) {
    %c0_i32 = arith.constant 0 : i32
    %c0_i32_0 = arith.constant 0 : i32
    %c0_i32_1 = arith.constant 0 : i32
    return %c0_i32, %c0_i32_0 : i32, i32
  }
  func.func @transform_6(%arg0: i32) -> (i32, i32) {
    %c0_i32 = arith.constant 0 : i32
    %c0_i32_0 = arith.constant 0 : i32
    return %arg0, %c0_i32 : i32, i32
  }
}

module attributes {stable_mosaic.version = 14 : i64} {
  func.func @body(%arg0: i32, %arg1: memref<4000x128xf32, #tpu.memory_space<vmem>>, %arg2: memref<1x128xf32, #tpu.memory_space<vmem>>, %arg3: memref<1x128xf32, #tpu.memory_space<vmem>>) attributes {dimension_semantics = [#tpu.dimension_semantics<arbitrary>], iteration_bounds = array<i64: 80>, scalar_prefetch = 0 : i64, scratch_operands = 0 : i64, tpu.core_type = #tpu.core_type<tc>, window_params = [{transform_indices = @transform_0, window_bounds = array<i64: 4000, 128>}, {pipeline_mode = #tpu.pipeline_mode<synchronous>, transform_indices = @transform_1, window_bounds = array<i64: 1, 128>}, {pipeline_mode = #tpu.pipeline_mode<synchronous>, transform_indices = @transform_2, window_bounds = array<i64: 1, 128>}]} {
    %eq3A = arith.constant 0 : i32
    %eq3A_0 = arith.cmpi eq, %arg0, %eq3A : i32
    %convert_element_type3A = arith.extui %eq3A_0 : i1 to i32
    %cond3A = arith.constant 0 : i32
    %cond3A_1 = arith.cmpi ne, %convert_element_type3A, %cond3A : i32
    scf.if %cond3A_1 {
      %broadcast_in_dim3A_20 = arith.constant 0.000000e+00 : f32
      %broadcast_in_dim3A_21 = vector.broadcast %broadcast_in_dim3A_20 : f32 to vector<1x128xf32>
      %swap3A_22 = arith.constant 0 : index
      %swap3A_23 = arith.constant 0 : index
      %swap3A_24 = vector.load %arg2[%swap3A_22, %swap3A_23] : memref<1x128xf32, #tpu.memory_space<vmem>>, vector<1x128xf32>
      tpu.vector_store %arg2[%swap3A_22, %swap3A_23], %broadcast_in_dim3A_21 {strides = array<i32>} : memref<1x128xf32, #tpu.memory_space<vmem>>, vector<1x128xf32>,
      %broadcast_in_dim3A_25 = arith.constant 0.000000e+00 : f32
      %broadcast_in_dim3A_26 = vector.broadcast %broadcast_in_dim3A_25 : f32 to vector<1x128xf32>
      %swap3A_27 = arith.constant 0 : index
      %swap3A_28 = arith.constant 0 : index
      %swap3A_29 = vector.load %arg3[%swap3A_27, %swap3A_28] : memref<1x128xf32, #tpu.memory_space<vmem>>, vector<1x128xf32>
      tpu.vector_store %arg3[%swap3A_27, %swap3A_28], %broadcast_in_dim3A_26 {strides = array<i32>} : memref<1x128xf32, #tpu.memory_space<vmem>>, vector<1x128xf32>,
    } else {
    }
    %get3A = arith.constant 0 : index
    %get3A_2 = arith.constant 0 : index
    %get3A_3 = vector.load %arg1[%get3A, %get3A_2] : memref<4000x128xf32, #tpu.memory_space<vmem>>, vector<4000x128xf32>
    %get3A_4 = arith.constant 0 : index
    %get3A_5 = arith.constant 0 : index
    %get3A_6 = vector.load %arg2[%get3A_4, %get3A_5] : memref<1x128xf32, #tpu.memory_space<vmem>>, vector<1x128xf32>
    %reduce_sum3A = arith.constant dense<0.000000e+00> : vector<128xf32>
    %reduce_sum3A_7 = vector.multi_reduction <add>, %get3A_3, %reduce_sum3A [0] : vector<4000x128xf32> to vector<128xf32>
    %broadcast_in_dim3A = vector.shape_cast %reduce_sum3A_7 : vector<128xf32> to vector<1x128xf32>
    %add3A = arith.addf %get3A_6, %broadcast_in_dim3A : vector<1x128xf32>
    %swap3A = arith.constant 0 : index
    %swap3A_8 = arith.constant 0 : index
    %swap3A_9 = vector.load %arg2[%swap3A, %swap3A_8] : memref<1x128xf32, #tpu.memory_space<vmem>>, vector<1x128xf32>
    tpu.vector_store %arg2[%swap3A, %swap3A_8], %add3A {strides = array<i32>} : memref<1x128xf32, #tpu.memory_space<vmem>>, vector<1x128xf32>,
    %get3A_10 = arith.constant 0 : index
    %get3A_11 = arith.constant 0 : index
    %get3A_12 = vector.load %arg3[%get3A_10, %get3A_11] : memref<1x128xf32, #tpu.memory_space<vmem>>, vector<1x128xf32>
    %mul3A = arith.mulf %get3A_3, %get3A_3 : vector<4000x128xf32>
    %reduce_sum3A_13 = arith.constant dense<0.000000e+00> : vector<128xf32>
    %reduce_sum3A_14 = vector.multi_reduction <add>, %mul3A, %reduce_sum3A_13 [0] : vector<4000x128xf32> to vector<128xf32>
    %broadcast_in_dim3A_15 = vector.shape_cast %reduce_sum3A_14 : vector<128xf32> to vector<1x128xf32>
    %add3A_16 = arith.addf %get3A_12, %broadcast_in_dim3A_15 : vector<1x128xf32>
    %swap3A_17 = arith.constant 0 : index
    %swap3A_18 = arith.constant 0 : index
    %swap3A_19 = vector.load %arg3[%swap3A_17, %swap3A_18] : memref<1x128xf32, #tpu.memory_space<vmem>>, vector<1x128xf32>
    tpu.vector_store %arg3[%swap3A_17, %swap3A_18], %add3A_16 {strides = array<i32>} : memref<1x128xf32, #tpu.memory_space<vmem>>, vector<1x128xf32>,
    return
  }
  func.func @transform_0(%arg0: i32) -> (i32, i32) {
    %c0_i32 = arith.constant 0 : i32
    %c0_i32_0 = arith.constant 0 : i32
    return %arg0, %c0_i32 : i32, i32
  }
  func.func @transform_1(%arg0: i32) -> (i32, i32) {
    %c0_i32 = arith.constant 0 : i32
    %c0_i32_0 = arith.constant 0 : i32
    %c0_i32_1 = arith.constant 0 : i32
    return %c0_i32, %c0_i32_0 : i32, i32
  }
  func.func @transform_2(%arg0: i32) -> (i32, i32) {
    %c0_i32 = arith.constant 0 : i32
    %c0_i32_0 = arith.constant 0 : i32
    %c0_i32_1 = arith.constant 0 : i32
    return %c0_i32, %c0_i32_0 : i32, i32
  }
}

</mosaic_0001>

<sc_bundles>
// kernel: kernel.5.cloned.1.call-start
scs
__scs_entry_jumppad:
0x0: {  	(pc) =	sbr.rel $0x88, $3  }
0x1: {  	(tag) =	ssettag $0x0;
	lr =	simm.s32 $0x1  }
0x2: {  	[smem:$0x3F9D] =	sst lr;
	_ =	strace $0xD0000000  }
0x3: {  	_ = 	snop  }
0x4: {  	_ = 	snop  }
0x5: {  	_ = 	snop  }
0x6: {  	_ = 	snop  }
0x7: {  	_ = 	snop  }
__scs_overlays_trampoline_lowered:
0x8: {  	[smem:$0x3FAC] =	sst s0  }
0x9: {  	[smem:$0x3FAD] =	sst s1  }
0xa: {  	[smem:$0x3FAE] =	sst s2  }
0xb: {  	[smem:$0x3FAF] =	sst s3  }
0xc: {  	[smem:$0x3FB0] =	sst s4  }
0xd: {  	[smem:$0x3FB1] =	sst s5  }
0xe: {  	[smem:$0x3FB2] =	sst s6  }
0xf: {  	[smem:$0x3FB3] =	sst s7  }
0x10: {  	[smem:$0x3FB4] =	sst s8  }
0x11: {  	[smem:$0x3FB5] =	sst s9;
	s0 =	simm.s32 @!p0 $0x0  }
0x12: {  	s1 =	sld [smem:$0x3F9B];
	s0 =	simm.s32 @p0 $0x1  }
0x13: {  	[smem:$0x3FB6] =	sst s0;
	s0 =	simm.s32 @!p1 $0x0  }
0x14: {  	s2 =	sld [smem:$0x3F9A];
	s0 =	simm.s32 @p1 $0x1  }
0x15: {  	[smem:$0x3FB7] =	sst s0;
	s0 =	simm.s32 @!p2 $0x0  }
0x16: {  	s3 =	sld [smem:$0x3FDB];
	s0 =	simm.s32 @p2 $0x1  }
0x17: {  	s4 =	simm.s32 $0x1BF5;
	[smem:$0x3FB9] =	sst s0  }
0x18: {  	s0 =	sld [smem:$0x3F9C];
	_ =	swait.ge [sflag:s4], $0x0  }
0x19: {  	s7 =	sld [smem:$0x3F9D]  }
0x1a: {  	s8 =	sadd.s32 $0xFFFFE003, lr  }
0x1b: {  	s9 =	sadd.s32 $0xFFFFFEF7, lr;
	s5 =	simm.s32 $0xFFFFFFFF;
	p2 =	slt.u32 s8, $0xFFFFF086  }
0x1c: {  	p1 =	slt.u32 s9, $0xF7A;
	s5 =	simm.s32 @!p2 $0x0  }
0x1d: {  	s5 =	simm.s32 @p1 $0x1;
	p0 =	seq.s32 s7, s2  }
0x1e: {  	s7 =	smul.u32 @!p0 $0xF7A, s2;
	p2 =	seq.s32 @!p0 s5, $0x0  }
0x1f: {  	s9 =	smul.u32 $0xF7A, s1;
	s8 =	simm.s32 @!p0 $0x1BF5;
	p2 =	por !p2, p0  }
0x20: {  	[sflag:s8] =	ssyncset.s32 @!p0 $0xFFFFF086;
	s6 =	sadd.s32 @!p0 s3, s7;
	s7 =	simm.s32 @!p0 $0x108  }
0x21: {  	s3 =	sadd.s32 s3, s9;
	s6 =	sadd.s32 @!p0 $0x88, s6;
	s7 =	simm.s32 @p2 $0x1082  }
0x22: {  	[simem:s7], [sflag:s8] =	dma.local @!p0 [hbm:s6], $0xF7A  }
0x23: {  	s9 =	sor.u32 $0xD0000000, s2;
	s6 =	simm.s32 $0x108;
	_ =	swait.ge @!p0 [sflag:s8], $0x0  }
0x24: {  	s3 =	sadd.s32 $0x88, s3;
	s6 =	simm.s32 @!p1 $0x1082;
	[sflag:s4] =	ssyncset.s32 $0xFFFFF086  }
0x25: {  	[simem:s6], [sflag:s4] =	dma.local [hbm:s3], $0xF7A  }
0x26: {  	[smem:$0x3F9D] =	sst s1;
	(tag) =	ssettag s2;
	_ =	strace s9  }
0x27: {  	s1 =	sld [smem:$0x3FAD]  }
0x28: {  	s2 =	sld [smem:$0x3FAE]  }
0x29: {  	s4 =	sld [smem:$0x3FB0]  }
0x2a: {  	p0 =	seq.s32 s5, $0x0;
	s5 =	sld [smem:$0x3FB1]  }
0x2b: {  	s6 =	sld [smem:$0x3FB2]  }
0x2c: {  	s7 =	sld [smem:$0x3FB3]  }
0x2d: {  	s3 =	simm.s32 $0x108;
	s8 =	sld [smem:$0x3FB4]  }
0x2e: {  	s3 =	simm.s32 @!p0 $0x1082;
	s9 =	sld [smem:$0x3FB5]  }
0x2f: {  	lr =	sadd.s32 s0, s3;
	s0 =	sld [smem:$0x3FAC]  }
0x30: {  	s3 =	sld [smem:$0x3FAF]  }
0x31: {  	[smem:$0x3FB8] =	sst s10  }
0x32: {  	s10 =	sld [smem:$0x3FB6];
	_ =	sdelay $0x3  }
0x33: {  	p0 =	seq.s32 s10, $0x1;
	s10 =	sld [smem:$0x3FB8];
	_ =	sdelay $0x3  }
0x34: {  	[smem:$0x3FB8] =	sst s10  }
0x35: {  	s10 =	sld [smem:$0x3FB7];
	_ =	sdelay $0x3  }
0x36: {  	p1 =	seq.s32 s10, $0x1;
	s10 =	sld [smem:$0x3FB8];
	_ =	sdelay $0x3  }
0x37: {  	[smem:$0x3FB8] =	sst s10  }
0x38: {  	s10 =	sld [smem:$0x3FB9]  }
0x39: {  	_ = 	snop;
	(pc) =	sbr.ind lr, $3  }
0x3a: {  	_ = 	snop  }
0x3b: {  	_ = 	snop  }
0x3c: {  	p2 =	seq.s32 s10, $0x1;
	s10 =	sld [smem:$0x3FB8]  }
0x3d: {  	_ =	shalt  }
0x3e: {  	_ =	shalt  }
0x3f: {  	_ =	shalt  }
0x40: {  	_ =	shalt  }
0x41: {  	_ =	shalt  }
0x42: {  	_ =	shalt  }
0x43: {  	_ =	shalt  }
0x44: {  	_ =	shalt  }
0x45: {  	_ =	shalt  }
0x46: {  	_ =	shalt  }
0x47: {  	_ =	shalt  }
0x48: {  	_ =	shalt  }
0x49: {  	_ =	shalt  }
0x4a: {  	_ =	shalt  }
0x4b: {  	_ =	shalt  }
0x4c: {  	_ =	shalt  }
0x4d: {  	_ =	shalt  }
0x4e: {  	_ =	shalt  }
0x4f: {  	_ =	shalt  }
0x50: {  	_ =	shalt  }
0x51: {  	_ =	shalt  }
0x52: {  	_ =	shalt  }
0x53: {  	_ =	shalt  }
0x54: {  	_ =	shalt  }
0x55: {  	_ =	shalt  }
0x56: {  	_ =	shalt  }
0x57: {  	_ =	shalt  }
0x58: {  	_ =	shalt  }
0x59: {  	_ =	shalt  }
0x5a: {  	_ =	shalt  }
0x5b: {  	_ =	shalt  }
0x5c: {  	_ =	shalt  }
0x5d: {  	_ =	shalt  }
0x5e: {  	_ =	shalt  }
0x5f: {  	_ =	shalt  }
0x60: {  	_ =	shalt  }
0x61: {  	_ =	shalt  }
0x62: {  	_ =	shalt  }
0x63: {  	_ =	shalt  }
0x64: {  	_ =	shalt  }
0x65: {  	_ =	shalt  }
0x66: {  	_ =	shalt  }
0x67: {  	_ =	shalt  }
0x68: {  	_ =	shalt  }
0x69: {  	_ =	shalt  }
0x6a: {  	_ =	shalt  }
0x6b: {  	_ =	shalt  }
0x6c: {  	_ =	shalt  }
0x6d: {  	_ =	shalt  }
0x6e: {  	_ =	shalt  }
0x6f: {  	_ =	shalt  }
0x70: {  	_ =	shalt  }
0x71: {  	_ =	shalt  }
0x72: {  	_ =	shalt  }
0x73: {  	_ =	shalt  }
0x74: {  	_ =	shalt  }
0x75: {  	_ =	shalt  }
0x76: {  	_ =	shalt  }
0x77: {  	_ =	shalt  }
0x78: {  	_ =	shalt  }
0x79: {  	_ =	shalt  }
0x7a: {  	_ =	shalt  }
0x7b: {  	_ =	shalt  }
0x7c: {  	_ =	shalt  }
0x7d: {  	_ =	shalt  }
0x7e: {  	_ =	shalt  }
0x7f: {  	_ =	shalt  }
0x80: {  	_ =	shalt  }
0x81: {  	_ =	shalt  }
0x82: {  	_ =	shalt  }
0x83: {  	_ =	shalt  }
0x84: {  	_ =	shalt  }
0x85: {  	_ =	shalt  }
0x86: {  	_ =	shalt  }
0x87: {  	_ =	shalt  }
.Lfunc_end0:
.L_simem_size_0:
called_computation_lowered:
.L_overlay_start_0:
0x88: {  	s2 =	sld [smem:$0x3FD9]  }
0x89: {  	s3 =	sld [smem:$0x3FFE];
	_ =	sdelay $0x1  }
0x8a: {  	s1 =	srdreg.scid  }
0x8b: {  	s0 =	sand.u32 $0x1, s1  }
0x8c: {  	s17 =	sshll.u32 s0, $0xA;
	s2 =	sadd.s32 s3, s2  }
0x8d: {  	s2 =	sadd.s32 s2, s17  }
0x8e: {  	[smem:$0x3FC4] =	sst s2  }
0x8f: {  	_ = 	snop  }
0x90: {  	s2 =	sld [smem:$0x3FC9]  }
0x91: {  	s18 =	sld [smem:$0x3FC8]  }
0x92: {  	s4 =	sld [smem:$0x3FD0];
	(tm) =	ssettm $0x1  }
0x93: {  	s5 =	sld [smem:$0x3FFB];
	_ =	sdelay $0x3  }
0x94: {  	_ =	strace s5  }
0x95: {  	s5 =	sld [smem:$0x3FFC];
	_ =	sdelay $0x3  }
0x96: {  	_ =	strace s5  }
0x97: {  	s5 =	sld [smem:$0x3FFD];
	_ =	sdelay $0x3  }
0x98: {  	_ =	strace s5  }
0x99: {  	_ =	strace $0x8FFFFFFF  }
0x9a: {  	s19 =	sld [smem:$0x3FDB];
	_ =	sdelay $0x1  }
0x9b: {  	s6 =	simm.s32 $_scs_section_size  }
0x9c: {  	s7 =	simm.s32 $_size__tile_overlayer_lowered;
	s8 =	simm.s32 $_tile_overlayer_lowered  }
0x9d: {  	s22 =	simm.s32 $0x1BFF;
	s21 =	sshll.u32 s8, $0x1;
	s5 =	sadd.s32 s6, s19  }
0x9e: {  	s9 =	simm.s32 $0x0;
	s20 =	sshll.u32 s7, $0x1;
	s7 =	sadd.s32 s21, s5  }
0x9f: {  	[timem:s9], [sflag:s22] =	dma.local [hbm:s7], s20  }
0xa0: {  	_ =	swait.ge [sflag:s22], s20  }
0xa1: {  	s6 =	ssub.s32 $0x0, s20;
	[sflag:s22] =	ssyncset.done $0x0  }
0xa2: {  	[sflag:s22] =	ssyncadd.s32 s6;
	_ =	sdelay $0x1  }
0xa3: {  	s23 =	simm.s32 $0x1B8B  }
0xa4: {  	_ =	swait.ge [sflag:s23], $0x1  }
0xa5: {  	[sflag:s23] =	ssyncset.done $0x0  }
0xa6: {  	s25 =	simm.s32 $0x1B8E;
	s24 =	sld [smem:$0x3FFE];
	[sflag:s23] =	ssyncadd.s32 $0xFFFFFFFF  }
0xa7: {  	s26 =	simm.s32 $execute0_lowered;
	[smem:$0x3FD2] =	sst s25  }
0xa8: {  	s7 =	sshll.u32 s26, $0x1;
	_ =	strace $0x80000046;
	[dreg:$0x1] =	wrdreg $0xFFFFFFFF  }
0xa9: {  	s28 =	simm.s32 $_size_execute0_lowered;
	s5 =	sadd.s32 s5, s7;
	[dreg:$0x0] =	wrdreg $0x0  }
0xaa: {  	s7 =	sshll.u32 s28, $0x1;
	[dreg:$0x2] =	wrdreg s5  }
0xab: {  	[dreg:$0x3] =	wrdreg s7  }
0xac: {  	[dreg:$0x4] =	wrdreg $0xC0  }
0xad: {  	_ =	task [dreg:s9], $0x5FFFF  }
0xae: {  	[dreg:$0x1] =	wrdreg $0xFFFFFFFF  }
0xaf: {  	[dreg:$0x0] =	wrdreg $0x60  }
0xb0: {  	[dreg:$0x2] =	wrdreg s2  }
0xb1: {  	[dreg:$0x3] =	wrdreg s18  }
0xb2: {  	[dreg:$0x4] =	wrdreg s4  }
0xb3: {  	[dreg:$0x5] =	wrdreg s24  }
0xb4: {  	[dreg:$0x6] =	wrdreg $0x79800  }
0xb5: {  	[dreg:$0x7] =	wrdreg $0x1B9800  }
0xb6: {  	[dreg:$0x8] =	wrdreg $0x9  }
0xb7: {  	_ =	task.clear_ibuf [dreg:s9], $0x9FFFF;
	_ =	strace $0x90000046  }
0xb8: {  	s29 =	simm.s32 $0x9;
	_ =	strace $0x80000048  }
0xb9: {  	_ =	swait.ge [sflag:s29], $0x1  }
0xba: {  	[sflag:s29] =	ssyncadd.s32 $0xFFFFFFFF  }
0xbb: {  	_ =	strace $0x90000048  }
0xbc: {  	_ =	sfence  }
0xbd: {  	s30 =	sld [smem:$0x0];
	_ =	sdelay $0x2  }
0xbe: {  	s31 =	sshll.u32 s1, $0xD;
	s1 =	sshrl.u32 s1, $0x2  }
0xbf: {  	s3 =	sand.u32 $0x4000, s31;
	s1 =	sadd.s32 s1, s30  }
0xc0: {  	s0 =	sor.u32 s3, s0;
	s1 =	sshll.u32 s1, $0x11  }
0xc1: {  	s0 =	sor.u32 s1, s0  }
0xc2: {  	s0 =	sadd.s32 $0x8F2B, s0  }
0xc3: {  	[sflag:s0] =	ssyncadd.remote.s32 $0x1  }
0xc4: {  	_ =	sfence.sel $0xFFFF  }
0xc5: {  	[dreg:$0x0] =	wrdreg $0xFFFFFFFF;
	(pc) =	sbr.abs _section_cstart, $3  }
0xc6: {  	[dreg:$0x1] =	wrdreg $0xFFFFFFFF  }
0xc7: {  	_ =	task.clear_ibuf [dreg:s9], $0x2FFFF;
	_ =	strace $0x9FFFFFFF  }
0xc8: {  	(tm) =	ssettm $0x7FFFFFFF  }
0xc9: {  	_ =	shalt  }
tec
execute0_lowered:
.L_overlay_start_1:
0x0: {  	(tag) =	ssettag $0x1  }
0x1: {  	s0 =	rddreg [dreg:$0x0]  }
0x2: {  	s1 =	rddreg [dreg:$0x1]  }
0x3: {  	s2 =	rddreg [dreg:$0x2]  }
0x4: {  	s4 =	rddreg [dreg:$0x3]  }
0x5: {  	s3 =	rddreg [dreg:$0x4]  }
0x6: {  	s19 =	rddreg [dreg:$0x5];
	s6 =	srdreg.scid  }
0x7: {  	s8 =	stileid.u32;
	s5 =	simm.s32 $0x0;
	s28 =	simm.s32 $0x50  }
0x8: {  	s29 =	simm.s32 $0x5;
	s30 =	simm.s32 $0x2;
	s7 =	smul.u32 $0x2800, s8  }
0x9: {  	s31 =	simm.s32 $0x4;
	s6 =	sand.u32 $0x1, s6;
	s15 =	smul.u32 $0x50000, s8  }
0xa: {  	[smem:$0x7FF] =	sst s5;
	s10 =	sadd.s32 $0x1000, s4;
	s9 =	smul.u32 $0x28000, s6  }
0xb: {  	s17 =	sshll.u32 s8, $0x6;
	p0 =	sne.s32 s8, $0x0;
	s11 =	smul.u32 $0x500, s6  }
0xc: {  	_ =	strace $0x80000047;
	[dreg:$0x7] =	wrdreg s10;
	s22 =	smul.u32 $0x27100, s6  }
0xd: {  	s13 =	sshll.u32 s6, $0x4;
	s16 =	ssub.s32 $0x2, s6;
	s6 =	smul.u32 $0x271000, s6  }
0xe: {  	s14 =	sor.u32 s8, s13;
	s13 =	sshrl.u32 s16, $0x1;
	s10 =	sshrl.u32 s15, $0x2  }
0xf: {  	s7 =	sadd.s32 s7, s9;
	s9 =	ssub.s32 s16, s13;
	s16 =	smul.u32 $0x2710, s8  }
0x10: {  	s12 =	sadd.s32 s7, s4;
	s4 =	sadd.s32 s11, s4;
	s11 =	smul.u32 $0x2710, s14  }
0x11: {  	s15 =	sadd.s32 s10, s3;
	s14 =	smul.u32 $0x27100, s14;
	s7 =	sor.u32 $0x1C06, s17  }
0x12: {  	s17 =	smul.u32 $0x27100, s8;
	s8 =	smov.u32 s19;
	s19 =	simm.s32 $0x6  }
0x13: {  	s12 =	sadd.s32 $0x1C00, s12;
	s13 =	sadd.s32 $0x1200, s4;
	s18 =	sadd.s32 s0, s14  }
0x14: {  	s20 =	sshrl.u32 s11, $0x3;
	s21 =	sadd.s32 $0x50, s11;
	s14 =	smax.u32 s9, $0x1  }
0x15: {  	v0 =	vimm.s32 $0xFFEDCBA9;
	v1 =	vimm.s32 $0x87654321;
	[dreg:$0x8] =	wrdreg s18;
	s10 =	sadd.s32 s1, s20;
	s11 =	sshll.u32 s21, $0x4  }
0x16: {  	v2 =	vimm.s32 $0xEDCBA987;
	v3 =	vimm.s32 $0x65432100;
	s23 =	sshrl.u32 s21, $0x3;
	s18 =	sadd.s32 s16, s22;
	s20 =	simm.s32 $0x5100  }
0x17: {  	v0 =	vunpack.c.l.s4.s8 v0;
	v1 =	vunpack.c.l.s4.s8 v1;
	v2 =	vunpack.c.l.s4.s8 v2;
	s21 =	simm.s32 $0x7900;
	s22 =	simm.s32 $0x5000;
	[dreg:$0x9] =	wrdreg s10  }
0x18: {  	v3 =	vunpack.c.l.s4.s8 v3;
	s24 =	sadd.s32 s0, s11;
	s25 =	sadd.s32 s1, s23;
	s0 =	sadd.s32 s6, s0  }
.Ltmp0:
0x19: {  	v0 =	vunpack.c.0.s8.s32 v0;
	v1 =	vunpack.c.0.s8.s32 v1;
	v2 =	vunpack.c.0.s8.s32 v2;
	s26 =	sadd.s32 $0xF0, s18;
	s6 =	sadd.s32 $0xA0, s18;
	(pc) =	sbr.rel .LBB2_1-.Ltmp0, $4  }
0x1a: {  	v3 =	vunpack.c.0.s8.s32 v3;
	s18 =	sshrl.u32 s15, $0x3;
	s23 =	simm.s32 $0x2800;
	[dreg:$0xa] =	wrdreg s24  }
0x1b: {  	v1 =	vcombine.low v1, v0;
	v0 =	vand.u32 $0xF, v2;
	[dreg:$0xb] =	wrdreg s25;
	s0 =	sadd.s32 s17, s0;
	s4 =	sshrl.u32 s26, $0x3  }
0x1c: {  	vm0 =	vcmask $0x3F3C;
	v0 =	vcombine.low v3, v0;
	v3 =	vlaneseq.u32;
	s24 =	simm.s32 $0x5080;
	s25 =	simm.s32 $0x1;
	s26 =	simm.s32 $0x3  }
0x1d: {  	v1 =	vand.u32 $0xF, v1;
	v2 =	vor.u32 $0x80000000, v3;
	v3 =	vadd.s32 $0x1, v3;
	s9 =	sadd.s32 $0xF00, s0;
	s16 =	sadd.s32 s4, s1;
	s0 =	simm.s32 $0x0  }
.LBB2_4:
0x1e: {  	_ =	swait.ge [sflag:s25], $0x2800  }
0x1f: {  	[sflag:s25] =	ssyncset.done $0x0  }
0x20: {  	[sflag:s25] =	ssyncadd.s32 $0xFFFFD800  }
0x21: {  	_ =	swait.ge [sflag:s26], $0x50  }
0x22: {  	[sflag:s26] =	ssyncset.done $0x0  }
0x23: {  	[sflag:s26] =	ssyncadd.s32 $0xFFFFFFB0  }
0x24: {  	[spmem:s3] =	stream.indirect.scatter.add.f32 [tilespmem:s5], [sflag:$0x5], $0x80, s22, s28, $0xb8;
	[tilespmem:$0x1BC00] =	vst v63  }
0x25: {  	v4 =	vld [tilespmem:$0x5000];
	_ =	sdelay $0x4  }
0x26: {  	v5 =	vperm.xlane v4, v0;
	_ =	sdelay $0x1  }
0x27: {  	vm1 =	veq.s32 v4, v5  }
0x28: {  	v5 =	vsel vm1, $0x80000000, v2  }
0x29: {  	(xrf0) =	vmax.scan.msk.u32 $0xffff, v5;
	_ =	sdelay $0x1  }
0x2a: {  	v5 =	vperm.xlane v4, v1;
	_ =	sdelay $0x1  }
0x2b: {  	vm1 =	vne.s32 v4, v5  }
0x2c: {  	vm1 =	vmor vm1, vm0  }
0x2d: {  	v5, _, _ =	vpop (xrf0)  }
0x2e: {  	v5 =	vxor.u32 $0x80000000, v5  }
0x2f: {  	v5 =	vsub.s32 v3, v5  }
0x30: {  	v5 =	vcvt.s32.f32 v5;
	_ =	sdelay $0x1  }
0x31: {  	[tilespmem:v4+s20+$0x0] =	vst.idx.add.f32.msk vm1, v5  }
0x32: {  	v4 =	vld [tilespmem:$0x5010];
	_ =	sdelay $0x4  }
0x33: {  	v5 =	vperm.xlane v4, v0;
	_ =	sdelay $0x1  }
0x34: {  	vm1 =	veq.s32 v4, v5  }
0x35: {  	v5 =	vsel vm1, $0x80000000, v2  }
0x36: {  	(xrf0) =	vmax.scan.msk.u32 $0xffff, v5;
	_ =	sdelay $0x1  }
0x37: {  	v5 =	vperm.xlane v4, v1;
	_ =	sdelay $0x1  }
0x38: {  	vm1 =	vne.s32 v4, v5  }
0x39: {  	vm1 =	vmor vm1, vm0  }
0x3a: {  	v5, _, _ =	vpop (xrf0)  }
0x3b: {  	v5 =	vxor.u32 $0x80000000, v5  }
0x3c: {  	v5 =	vsub.s32 v3, v5  }
0x3d: {  	v5 =	vcvt.s32.f32 v5;
	_ =	sdelay $0x1  }
0x3e: {  	[tilespmem:v4+s20+$0x0] =	vst.idx.add.f32.msk vm1, v5  }
0x3f: {  	v4 =	vld [tilespmem:$0x5020];
	_ =	sdelay $0x4  }
0x40: {  	v5 =	vperm.xlane v4, v0;
	_ =	sdelay $0x1  }
0x41: {  	vm1 =	veq.s32 v4, v5  }
0x42: {  	v5 =	vsel vm1, $0x80000000, v2  }
0x43: {  	(xrf0) =	vmax.scan.msk.u32 $0xffff, v5;
	_ =	sdelay $0x1  }
0x44: {  	v5 =	vperm.xlane v4, v1;
	_ =	sdelay $0x1  }
0x45: {  	vm1 =	vne.s32 v4, v5  }
0x46: {  	vm1 =	vmor vm1, vm0  }
0x47: {  	v5, _, _ =	vpop (xrf0)  }
0x48: {  	v5 =	vxor.u32 $0x80000000, v5  }
0x49: {  	v5 =	vsub.s32 v3, v5  }
0x4a: {  	v5 =	vcvt.s32.f32 v5;
	_ =	sdelay $0x1  }
0x4b: {  	[tilespmem:v4+s20+$0x0] =	vst.idx.add.f32.msk vm1, v5  }
0x4c: {  	v4 =	vld [tilespmem:$0x5030];
	_ =	sdelay $0x4  }
0x4d: {  	v5 =	vperm.xlane v4, v0;
	_ =	sdelay $0x1  }
0x4e: {  	vm1 =	veq.s32 v4, v5  }
0x4f: {  	v5 =	vsel vm1, $0x80000000, v2  }
0x50: {  	(xrf0) =	vmax.scan.msk.u32 $0xffff, v5;
	_ =	sdelay $0x1  }
0x51: {  	v5 =	vperm.xlane v4, v1;
	_ =	sdelay $0x1  }
0x52: {  	vm1 =	vne.s32 v4, v5  }
0x53: {  	vm1 =	vmor vm1, vm0  }
0x54: {  	v5, _, _ =	vpop (xrf0)  }
0x55: {  	v5 =	vxor.u32 $0x80000000, v5  }
0x56: {  	v5 =	vsub.s32 v3, v5  }
0x57: {  	v5 =	vcvt.s32.f32 v5;
	_ =	sdelay $0x1  }
0x58: {  	[tilespmem:v4+s20+$0x0] =	vst.idx.add.f32.msk vm1, v5  }
0x59: {  	v4 =	vld [tilespmem:$0x5040];
	_ =	sdelay $0x4  }
0x5a: {  	v5 =	vperm.xlane v4, v0;
	_ =	sdelay $0x1  }
0x5b: {  	vm1 =	veq.s32 v4, v5  }
0x5c: {  	v5 =	vsel vm1, $0x80000000, v2  }
0x5d: {  	(xrf0) =	vmax.scan.msk.u32 $0xffff, v5;
	_ =	sdelay $0x1  }
0x5e: {  	v5 =	vperm.xlane v4, v1;
	_ =	sdelay $0x1  }
0x5f: {  	vm1 =	vne.s32 v4, v5  }
0x60: {  	vm1 =	vmor vm1, vm0  }
0x61: {  	v5, _, _ =	vpop (xrf0)  }
0x62: {  	v5 =	vxor.u32 $0x80000000, v5  }
0x63: {  	v5 =	vsub.s32 v3, v5  }
0x64: {  	v5 =	vcvt.s32.f32 v5;
	_ =	sdelay $0x1  }
0x65: {  	[tilespmem:v4+s20+$0x0] =	vst.idx.add.f32.msk vm1, v5  }
0x66: {  	_ =	swait.ge [sflag:s29], $0x2800  }
0x67: {  	[sflag:s29] =	ssyncset.done $0x0  }
0x68: {  	[sflag:s29] =	ssyncadd.s32 $0xFFFFD800  }
0x69: {  	[bflag:$0x0] =	sbarrier.arrive $0xFFFF  }
0x6a: {  	[spmem:s11] =	stream.indirect.scatter.add.f32 [tilespmem:s20], [sflag:$0x6], $0x80, s21, s28, $0xb8;
	[tilespmem:$0x1BC00] =	vst v63  }
0x6b: {  	_ =	swait.ge [sflag:s19], $0x2800  }
0x6c: {  	[sflag:s19] =	ssyncset.done $0x0  }
0x6d: {  	[sflag:s19] =	ssyncadd.s32 $0xFFFFD800  }
0x6e: {  	[bflag:$0x0] =	sbarrier.arrive $0xFFFF  }
0x6f: {  	[hbm:s12], [sflag:s7] =	dma.local [spmem:s18], $0x2800  }
0x70: {  	_ =	swait.ge [sflag:s19], $0x2800  }
0x71: {  	s0 =	sadd.s32 $0x1, s0;
	[sflag:s19] =	ssyncset.done $0x0  }
0x72: {  	p1 =	sne.s32 s0, s14;
	[sflag:s19] =	ssyncadd.s32 $0xFFFFD800  }
0x73: {  	[hbm:s13], [sflag:s7] =	dma.local @!p0 [spmem:s4], $0x500  }
.Ltmp1:
0x74: {  	_ = 	snop;
	(pc) =	sbr.rel @!p1 .LBB2_5-.Ltmp1, $4  }
0x75: {  	s4 =	simm.s32 @!p0 $0x6  }
0x76: {  	_ =	swait.ge @!p0 [sflag:s4], $0x500  }
0x77: {  	[sflag:s4] =	ssyncset.done @!p0 $0x0  }
0x78: {  	s8 =	smov.u32 s11;
	[sflag:s4] =	ssyncadd.s32 @!p0 $0xFFFFFB00  }
.LBB2_1:
0x79: {  	[spmem:s18], [sflag:s7] =	dma.local [hbm:s2], $0x2800  }
0x7a: {  	_ =	swait.ge [sflag:s19], $0x2800  }
0x7b: {  	[sflag:s19] =	ssyncset.done $0x0  }
0x7c: {  	[sflag:s19] =	ssyncadd.s32 $0xFFFFD800  }
0x7d: {  	[tilespmem:s20], [sflag:$0x6] =	stream.linear.gather [hbm4b:s2+s5], $0x2800, $0x38;
	[tilespmem:$0x1BC00] =	vst v63  }
0x7e: {  	_ =	swait.ge [sflag:s19], $0x2800  }
0x7f: {  	[sflag:s19] =	ssyncset.done $0x0  }
0x80: {  	s4 =	rddreg [dreg:$0x7];
	[sflag:s19] =	ssyncadd.s32 $0xFFFFD800  }
0x81: {  	[tilespmem:s21], [sflag:$0x6] =	stream.linear.gather [hbm4b:s4+s5], $0x80, $0x38;
	[tilespmem:$0x1BC00] =	vst v63  }
0x82: {  	_ =	swait.ge [sflag:s19], $0x80  }
0x83: {  	s11 =	smov.u32 s8;
	[sflag:s19] =	ssyncset.done $0x0  }
0x84: {  	s4 =	sshrl.u32 @!p0 s8, $0x3;
	s8 =	simm.s32 @!p0 $0x6;
	[sflag:s19] =	ssyncadd.s32 $0xFFFFFF80  }
0x85: {  	[spmem:s4], [sflag:s7] =	dma.local @!p0 [hbm:s2], $0x500  }
0x86: {  	_ =	swait.ge @!p0 [sflag:s8], $0x500  }
0x87: {  	[sflag:s8] =	ssyncset.done @!p0 $0x0  }
0x88: {  	[sflag:s8] =	ssyncadd.s32 @!p0 $0xFFFFFB00  }
0x89: {  	[bflag:$0x0] =	sbarrier.arrive $0xFFFF  }
0x8a: {  	s17 =	rddreg [dreg:$0x8]  }
0x8b: {  	[tilespmem:s5], [sflag:$0x1] =	stream.linear.gather [hbm4b:s17+s5], $0x2800, $0x38;
	[tilespmem:$0x1BC00] =	vst v63  }
0x8c: {  	s10 =	rddreg [dreg:$0x9]  }
0x8d: {  	[tilespmem:s22], [sflag:$0x3] =	stream.linear.gather [hbm4b:s10+s5], $0x50, $0x38;
	[tilespmem:$0x1BC00] =	vst v63  }
0x8e: {  	s15 =	rddreg [dreg:$0xa]  }
0x8f: {  	[tilespmem:s23], [sflag:$0x2] =	stream.linear.gather [hbm4b:s15+s5], $0x2800, $0x38;
	[tilespmem:$0x1BC00] =	vst v63  }
0x90: {  	s17 =	rddreg [dreg:$0xb]  }
0x91: {  	[tilespmem:s24], [sflag:$0x4] =	stream.linear.gather [hbm4b:s17+s5], $0x50, $0x38;
	[tilespmem:$0x1BC00] =	vst v63  }
0x92: {  	s8 =	simm.s32 $0x0;
	s15 =	smov.u32 s9;
	s17 =	smov.u32 s6  }
.LBB2_2:
0x93: {  	_ =	swait.ge [sflag:s25], $0x2800  }
0x94: {  	[sflag:s25] =	ssyncset.done $0x0  }
0x95: {  	[sflag:s25] =	ssyncadd.s32 $0xFFFFD800  }
0x96: {  	_ =	swait.ge [sflag:s26], $0x50  }
0x97: {  	[sflag:s26] =	ssyncset.done $0x0  }
0x98: {  	[sflag:s26] =	ssyncadd.s32 $0xFFFFFFB0  }
0x99: {  	[spmem:s3] =	stream.indirect.scatter.add.f32 [tilespmem:s5], [sflag:$0x5], $0x80, s22, s28, $0xb8;
	[tilespmem:$0x1BC00] =	vst v63  }
0x9a: {  	v4 =	vld [tilespmem:$0x5000];
	_ =	sdelay $0x4  }
0x9b: {  	v5 =	vperm.xlane v4, v0;
	_ =	sdelay $0x1  }
0x9c: {  	vm1 =	veq.s32 v4, v5  }
0x9d: {  	v5 =	vsel vm1, $0x80000000, v2  }
0x9e: {  	(xrf0) =	vmax.scan.msk.u32 $0xffff, v5;
	_ =	sdelay $0x1  }
0x9f: {  	v5 =	vperm.xlane v4, v1;
	_ =	sdelay $0x1  }
0xa0: {  	vm1 =	vne.s32 v4, v5  }
0xa1: {  	vm1 =	vmor vm1, vm0  }
0xa2: {  	v5, _, _ =	vpop (xrf0)  }
0xa3: {  	v5 =	vxor.u32 $0x80000000, v5  }
0xa4: {  	v5 =	vsub.s32 v3, v5  }
0xa5: {  	v5 =	vcvt.s32.f32 v5;
	_ =	sdelay $0x1  }
0xa6: {  	[tilespmem:v4+s20+$0x0] =	vst.idx.add.f32.msk vm1, v5  }
0xa7: {  	v4 =	vld [tilespmem:$0x5010];
	_ =	sdelay $0x4  }
0xa8: {  	v5 =	vperm.xlane v4, v0;
	_ =	sdelay $0x1  }
0xa9: {  	vm1 =	veq.s32 v4, v5  }
0xaa: {  	v5 =	vsel vm1, $0x80000000, v2  }
0xab: {  	(xrf0) =	vmax.scan.msk.u32 $0xffff, v5;
	_ =	sdelay $0x1  }
0xac: {  	v5 =	vperm.xlane v4, v1;
	_ =	sdelay $0x1  }
0xad: {  	vm1 =	vne.s32 v4, v5  }
0xae: {  	vm1 =	vmor vm1, vm0  }
0xaf: {  	v5, _, _ =	vpop (xrf0)  }
0xb0: {  	v5 =	vxor.u32 $0x80000000, v5  }
0xb1: {  	v5 =	vsub.s32 v3, v5  }
0xb2: {  	v5 =	vcvt.s32.f32 v5;
	_ =	sdelay $0x1  }
0xb3: {  	[tilespmem:v4+s20+$0x0] =	vst.idx.add.f32.msk vm1, v5  }
0xb4: {  	v4 =	vld [tilespmem:$0x5020];
	_ =	sdelay $0x4  }
0xb5: {  	v5 =	vperm.xlane v4, v0;
	_ =	sdelay $0x1  }
0xb6: {  	vm1 =	veq.s32 v4, v5  }
0xb7: {  	v5 =	vsel vm1, $0x80000000, v2  }
0xb8: {  	(xrf0) =	vmax.scan.msk.u32 $0xffff, v5;
	_ =	sdelay $0x1  }
0xb9: {  	v5 =	vperm.xlane v4, v1;
	_ =	sdelay $0x1  }
0xba: {  	vm1 =	vne.s32 v4, v5  }
0xbb: {  	vm1 =	vmor vm1, vm0  }
0xbc: {  	v5, _, _ =	vpop (xrf0)  }
0xbd: {  	v5 =	vxor.u32 $0x80000000, v5  }
0xbe: {  	v5 =	vsub.s32 v3, v5  }
0xbf: {  	v5 =	vcvt.s32.f32 v5;
	_ =	sdelay $0x1  }
0xc0: {  	[tilespmem:v4+s20+$0x0] =	vst.idx.add.f32.msk vm1, v5  }
0xc1: {  	v4 =	vld [tilespmem:$0x5030];
	_ =	sdelay $0x4  }
0xc2: {  	v5 =	vperm.xlane v4, v0;
	_ =	sdelay $0x1  }
0xc3: {  	vm1 =	veq.s32 v4, v5  }
0xc4: {  	v5 =	vsel vm1, $0x80000000, v2  }
0xc5: {  	(xrf0) =	vmax.scan.msk.u32 $0xffff, v5;
	_ =	sdelay $0x1  }
0xc6: {  	v5 =	vperm.xlane v4, v1;
	_ =	sdelay $0x1  }
0xc7: {  	vm1 =	vne.s32 v4, v5  }
0xc8: {  	vm1 =	vmor vm1, vm0  }
0xc9: {  	v5, _, _ =	vpop (xrf0)  }
0xca: {  	v5 =	vxor.u32 $0x80000000, v5  }
0xcb: {  	v5 =	vsub.s32 v3, v5  }
0xcc: {  	v5 =	vcvt.s32.f32 v5;
	_ =	sdelay $0x1  }
0xcd: {  	[tilespmem:v4+s20+$0x0] =	vst.idx.add.f32.msk vm1, v5  }
0xce: {  	v4 =	vld [tilespmem:$0x5040];
	_ =	sdelay $0x4  }
0xcf: {  	v5 =	vperm.xlane v4, v0;
	_ =	sdelay $0x1  }
0xd0: {  	vm1 =	veq.s32 v4, v5  }
0xd1: {  	v5 =	vsel vm1, $0x80000000, v2  }
0xd2: {  	(xrf0) =	vmax.scan.msk.u32 $0xffff, v5;
	_ =	sdelay $0x1  }
0xd3: {  	v5 =	vperm.xlane v4, v1;
	_ =	sdelay $0x1  }
0xd4: {  	vm1 =	vne.s32 v4, v5  }
0xd5: {  	vm1 =	vmor vm1, vm0  }
0xd6: {  	v5, _, _ =	vpop (xrf0)  }
0xd7: {  	v5 =	vxor.u32 $0x80000000, v5  }
0xd8: {  	v5 =	vsub.s32 v3, v5  }
0xd9: {  	v5 =	vcvt.s32.f32 v5;
	_ =	sdelay $0x1  }
0xda: {  	[tilespmem:v4+s20+$0x0] =	vst.idx.add.f32.msk vm1, v5  }
0xdb: {  	_ =	swait.ge [sflag:s29], $0x2800  }
0xdc: {  	[sflag:s29] =	ssyncset.done $0x0  }
0xdd: {  	s10 =	sadd.s32 $0xFFFFFB00, s15;
	[sflag:s29] =	ssyncadd.s32 $0xFFFFD800  }
0xde: {  	[tilespmem:s5], [sflag:$0x1] =	stream.linear.gather [hbm4b:s10+s5], $0x2800, $0x38;
	[tilespmem:$0x1BC00] =	vst v63  }
0xdf: {  	s10 =	sshrl.u32 s17, $0x3  }
0xe0: {  	s10 =	sadd.s32 s1, s10  }
0xe1: {  	[tilespmem:s22], [sflag:$0x3] =	stream.linear.gather [hbm4b:s10+s5], $0x50, $0x38;
	[tilespmem:$0x1BC00] =	vst v63  }
0xe2: {  	_ =	swait.ge [sflag:s30], $0x2800  }
0xe3: {  	[sflag:s30] =	ssyncset.done $0x0  }
0xe4: {  	[sflag:s30] =	ssyncadd.s32 $0xFFFFD800  }
0xe5: {  	_ =	swait.ge [sflag:s31], $0x50  }
0xe6: {  	[sflag:s31] =	ssyncset.done $0x0  }
0xe7: {  	[sflag:s31] =	ssyncadd.s32 $0xFFFFFFB0  }
0xe8: {  	[spmem:s3] =	stream.indirect.scatter.add.f32 [tilespmem:s23], [sflag:$0x5], $0x80, s24, s28, $0xb8;
	[tilespmem:$0x1BC00] =	vst v63  }
0xe9: {  	v4 =	vld [tilespmem:$0x5080];
	_ =	sdelay $0x4  }
0xea: {  	v5 =	vperm.xlane v4, v0;
	_ =	sdelay $0x1  }
0xeb: {  	vm1 =	veq.s32 v4, v5  }
0xec: {  	v5 =	vsel vm1, $0x80000000, v2  }
0xed: {  	(xrf0) =	vmax.scan.msk.u32 $0xffff, v5;
	_ =	sdelay $0x1  }
0xee: {  	v5 =	vperm.xlane v4, v1;
	_ =	sdelay $0x1  }
0xef: {  	vm1 =	vne.s32 v4, v5  }
0xf0: {  	vm1 =	vmor vm1, vm0  }
0xf1: {  	v5, _, _ =	vpop (xrf0)  }
0xf2: {  	v5 =	vxor.u32 $0x80000000, v5  }
0xf3: {  	v5 =	vsub.s32 v3, v5  }
0xf4: {  	v5 =	vcvt.s32.f32 v5;
	_ =	sdelay $0x1  }
0xf5: {  	[tilespmem:v4+s20+$0x0] =	vst.idx.add.f32.msk vm1, v5  }
0xf6: {  	v4 =	vld [tilespmem:$0x5090];
	_ =	sdelay $0x4  }
0xf7: {  	v5 =	vperm.xlane v4, v0;
	_ =	sdelay $0x1  }
0xf8: {  	vm1 =	veq.s32 v4, v5  }
0xf9: {  	v5 =	vsel vm1, $0x80000000, v2  }
0xfa: {  	(xrf0) =	vmax.scan.msk.u32 $0xffff, v5;
	_ =	sdelay $0x1  }
0xfb: {  	v5 =	vperm.xlane v4, v1;
	_ =	sdelay $0x1  }
0xfc: {  	vm1 =	vne.s32 v4, v5  }
0xfd: {  	vm1 =	vmor vm1, vm0  }
0xfe: {  	v5, _, _ =	vpop (xrf0)  }
0xff: {  	v5 =	vxor.u32 $0x80000000, v5  }
0x100: {  	v5 =	vsub.s32 v3, v5  }
0x101: {  	v5 =	vcvt.s32.f32 v5;
	_ =	sdelay $0x1  }
0x102: {  	[tilespmem:v4+s20+$0x0] =	vst.idx.add.f32.msk vm1, v5  }
0x103: {  	v4 =	vld [tilespmem:$0x50A0];
	_ =	sdelay $0x4  }
0x104: {  	v5 =	vperm.xlane v4, v0;
	_ =	sdelay $0x1  }
0x105: {  	vm1 =	veq.s32 v4, v5  }
0x106: {  	v5 =	vsel vm1, $0x80000000, v2  }
0x107: {  	(xrf0) =	vmax.scan.msk.u32 $0xffff, v5;
	_ =	sdelay $0x1  }
0x108: {  	v5 =	vperm.xlane v4, v1;
	_ =	sdelay $0x1  }
0x109: {  	vm1 =	vne.s32 v4, v5  }
0x10a: {  	vm1 =	vmor vm1, vm0  }
0x10b: {  	v5, _, _ =	vpop (xrf0)  }
0x10c: {  	v5 =	vxor.u32 $0x80000000, v5  }
0x10d: {  	v5 =	vsub.s32 v3, v5  }
0x10e: {  	v5 =	vcvt.s32.f32 v5;
	_ =	sdelay $0x1  }
0x10f: {  	[tilespmem:v4+s20+$0x0] =	vst.idx.add.f32.msk vm1, v5  }
0x110: {  	v4 =	vld [tilespmem:$0x50B0];
	_ =	sdelay $0x4  }
0x111: {  	v5 =	vperm.xlane v4, v0;
	_ =	sdelay $0x1  }
0x112: {  	vm1 =	veq.s32 v4, v5  }
0x113: {  	v5 =	vsel vm1, $0x80000000, v2  }
0x114: {  	(xrf0) =	vmax.scan.msk.u32 $0xffff, v5;
	_ =	sdelay $0x1  }
0x115: {  	v5 =	vperm.xlane v4, v1;
	_ =	sdelay $0x1  }
0x116: {  	vm1 =	vne.s32 v4, v5  }
0x117: {  	vm1 =	vmor vm1, vm0  }
0x118: {  	v5, _, _ =	vpop (xrf0)  }
0x119: {  	v5 =	vxor.u32 $0x80000000, v5  }
0x11a: {  	v5 =	vsub.s32 v3, v5  }
0x11b: {  	v5 =	vcvt.s32.f32 v5;
	_ =	sdelay $0x1  }
0x11c: {  	[tilespmem:v4+s20+$0x0] =	vst.idx.add.f32.msk vm1, v5  }
0x11d: {  	v4 =	vld [tilespmem:$0x50C0];
	_ =	sdelay $0x4  }
0x11e: {  	v5 =	vperm.xlane v4, v0;
	_ =	sdelay $0x1  }
0x11f: {  	vm1 =	veq.s32 v4, v5  }
0x120: {  	v5 =	vsel vm1, $0x80000000, v2  }
0x121: {  	(xrf0) =	vmax.scan.msk.u32 $0xffff, v5;
	_ =	sdelay $0x1  }
0x122: {  	v5 =	vperm.xlane v4, v1;
	_ =	sdelay $0x1  }
0x123: {  	vm1 =	vne.s32 v4, v5  }
0x124: {  	vm1 =	vmor vm1, vm0  }
0x125: {  	v5, _, _ =	vpop (xrf0)  }
0x126: {  	v5 =	vxor.u32 $0x80000000, v5  }
0x127: {  	v5 =	vsub.s32 v3, v5  }
0x128: {  	p1 =	seq.s32 s8, $0x4C4;
	v5 =	vcvt.s32.f32 v5  }
.Ltmp2:
0x129: {  	_ = 	snop;
	(pc) =	sbr.rel @p1 .LBB2_4-.Ltmp2, $4  }
0x12a: {  	[tilespmem:v4+s20+$0x0] =	vst.idx.add.f32.msk vm1, v5  }
0x12b: {  	_ =	swait.ge [sflag:s29], $0x2800  }
0x12c: {  	[sflag:s29] =	ssyncset.done $0x0  }
0x12d: {  	[sflag:s29] =	ssyncadd.s32 $0xFFFFD800  }
.Ltmp3:
0x12e: {  	(pc) =	sbr.rel .LBB2_2-.Ltmp3, $4  }
0x12f: {  	[tilespmem:s23], [sflag:$0x2] =	stream.linear.gather [hbm4b:s15+s5], $0x2800, $0x38;
	[tilespmem:$0x1BC00] =	vst v63  }
0x130: {  	s10 =	sadd.s32 s8, s16  }
0x131: {  	s15 =	sadd.s32 $0xA00, s15;
	s8 =	sadd.s32 $0x14, s8;
	s17 =	sadd.s32 $0xA0, s17  }
0x132: {  	[tilespmem:s24], [sflag:$0x4] =	stream.linear.gather [hbm4b:s10+s5], $0x50, $0x38;
	[tilespmem:$0x1BC00] =	vst v63  }
.LBB2_5:
0x133: {  	_ =	sfence.sel $0x180000  }
0x134: {  	[bflag:$0x0] =	sbarrier.arrive $0xFFFF  }
0x135: {  	_ =	strace $0x90000047  }
0x136: {  	[bflag:$0x2] =	sbarrier.arrive $0xFFFF  }
0x137: {  	s0 =	rddreg [dreg:$0x6]  }
0x138: {  	s0 =	sadd.s32 @!p0 $0x100000, s0  }
0x139: {  	[sflag:s0] =	ssyncadd.tile.s32 @!p0 $0x1;
	_ =	shalt  }
.Lfunc_end2:
_tile_overlayer_lowered:
.L_overlay_start_2:
0x13a: {  	(tag) =	ssettag $0x2  }
0x13b: {  	s0 =	rddreg [dreg:$0x0];
	s2 =	stileid.u32  }
0x13c: {  	s1 =	rddreg [dreg:$0x1];
	p0 =	sne.s32 s2, $0x0  }
0x13d: {  	s3 =	rddreg [dreg:$0x2];
	[bflag:$0x3] =	sbarrier.arrive $0xFFFF;
	s2 =	simm.s32 @!p0 $0x1C06  }
0x13e: {  	[timem:s3], [sflag:s2] =	dma.local @!p0 [hbm:s0], s1  }
0x13f: {  	s0 =	simm.s32 @!p0 $0x6  }
0x140: {  	_ =	swait.ge @!p0 [sflag:s0], s1  }
0x141: {  	s1 =	ssub.s32 @!p0 $0x0, s1;
	[sflag:s0] =	ssyncset.done @!p0 $0x0  }
0x142: {  	[sflag:s0] =	ssyncadd.s32 @!p0 s1  }
0x143: {  	[bflag:$0x3] =	sbarrier.arrive $0xFFFF  }
0x144: {  	_ =	shalt  }

</sc_bundles>
